<compile_context>
chip_gen: v7x
topology: tpu7x:2x2x1
jax: 0.10.2.dev20260603
libtpu: 0.0.44.dev20260713+nightly
codegen_flags: <defaults>
</compile_context>

<pallas_src>
import dataclasses
import functools

import jax
import jax.numpy as jnp
from jax import lax
from jax.experimental import pallas as pl
from jax.experimental.pallas import tpu as pltpu
from jax.experimental.pallas import tpu_sc as plsc

BATCH = 16384
EMBED_DIM = 64
PACKED = 2 * EMBED_DIM
N_USERS = 1000000
N_PRODUCTS = 100000

NC = 2
NS = 16
NW = NC * NS
BPW = BATCH // NW
CHUNK = 128
CPW = BPW // CHUNK

def _sc_mesh():
    return plsc.VectorSubcoreMesh(core_axis_name="c", subcore_axis_name="s")


_sc_params = pltpu.CompilerParams()
if "needs_layout_passes" in pltpu.CompilerParams.__dataclass_fields__:
    _sc_params = dataclasses.replace(_sc_params, needs_layout_passes=False)


def _repack_body(a, b, out):
    out[...] = jnp.concatenate([a[...], b[...]], axis=1)


def _tc_repack(table, blk):
    nmaj = table.shape[0] // 2
    nblk = nmaj // blk
    return pl.pallas_call(
        _repack_body,
        grid=(nblk,),
        in_specs=[pl.BlockSpec((blk, EMBED_DIM), lambda i: (i, 0)),
                  pl.BlockSpec((blk, EMBED_DIM),
                               lambda i, _n=nblk: (i + _n, 0))],
        out_specs=pl.BlockSpec((blk, PACKED), lambda i: (i, 0)),
        out_shape=jax.ShapeDtypeStruct((nmaj, PACKED), jnp.float32),
    )(table, table)


def _sc_gather(packed, qidx):

    @functools.partial(
        pl.kernel,
        mesh=_sc_mesh(),
        compiler_params=_sc_params,
        out_type=jax.ShapeDtypeStruct((BATCH, PACKED), jnp.float32),
        scratch_types=[
            pltpu.VMEM((BPW,), jnp.int32),
            pltpu.VMEM((CHUNK, PACKED), jnp.float32),
            pltpu.SemaphoreType.DMA,
        ],
    )
    def k(t_hbm, q_hbm, o_hbm, q_v, r_v, sem):
        wid = lax.axis_index("s") * NC + lax.axis_index("c")
        base = wid * BPW
        pltpu.sync_copy(q_hbm.at[pl.ds(base, BPW)], q_v)
        for c in range(CPW):
            pltpu.async_copy(
                t_hbm.at[q_v.at[pl.ds(c * CHUNK, CHUNK)]], r_v, sem).wait()
            pltpu.sync_copy(r_v, o_hbm.at[pl.ds(base + c * CHUNK, CHUNK)])

    return k(packed, qidx)


def _mlp_body(bu, bp, glue, w1, b1, w2, b2, w3a, w3b, w3c, b3, w4, b4, out):
    g = glue[...]
    bu_ = bu[...]
    bp_ = bp[...]
    ue = jnp.where(g[:, 0:1] > 0, bu_[:, EMBED_DIM:], bu_[:, :EMBED_DIM])
    pe = jnp.where(g[:, 1:2] > 0, bp_[:, EMBED_DIM:], bp_[:, :EMBED_DIM])
    m = ue * pe
    uf = g[:, 2:13]
    bd = g[:, 13:16]
    ufeat = jnp.maximum(
        jnp.dot(uf, w1[...], preferred_element_type=jnp.float32) + b1[...], 0.0)
    bfeat = jnp.maximum(
        jnp.dot(bd, w2[...], preferred_element_type=jnp.float32) + b2[...], 0.0)
    h = (jnp.dot(m, w3a[...], preferred_element_type=jnp.float32)
         + jnp.dot(ufeat, w3b[...], preferred_element_type=jnp.float32)
         + jnp.dot(bfeat, w3c[...], preferred_element_type=jnp.float32)
         + b3[...])
    h = jnp.maximum(h, 0.0)
    logit = jnp.dot(h, w4[...], preferred_element_type=jnp.float32) + b4[...]
    out[...] = jax.nn.sigmoid(logit)


_TC_BLOCK = 2048


def _tc_mlp(bu, bp, glue, w1, b1, w2, b2, w3a, w3b, w3c, b3, w4, b4):
    def row_block(width):
        return pl.BlockSpec((_TC_BLOCK, width), lambda i: (i, 0))

    def whole(a):
        return pl.BlockSpec(a.shape, lambda i: (0, 0))

    return pl.pallas_call(
        _mlp_body,
        grid=(BATCH // _TC_BLOCK,),
        in_specs=[row_block(PACKED), row_block(PACKED), row_block(16),
                  whole(w1), whole(b1), whole(w2), whole(b2),
                  whole(w3a), whole(w3b), whole(w3c), whole(b3),
                  whole(w4), whole(b4)],
        out_specs=row_block(1),
        out_shape=jax.ShapeDtypeStruct((BATCH, 1), jnp.float32),
    )(bu, bp, glue, w1, b1, w2, b2, w3a, w3b, w3c, b3, w4, b4)


@jax.jit
def _run(user_ids, product_ids, user_features, behavior_data,
         user_table, product_table, W1, b1, W2, b2, W3, b3, W4, b4):
    hu = N_USERS // 2
    hp = N_PRODUCTS // 2
    uq = jnp.where(user_ids >= hu, user_ids - hu, user_ids)
    pq = jnp.where(product_ids >= hp, product_ids - hp, product_ids)
    su = (user_ids >= hu).astype(jnp.float32).reshape(BATCH, 1)
    sp = (product_ids >= hp).astype(jnp.float32).reshape(BATCH, 1)
    glue = jnp.concatenate([su, sp, user_features, behavior_data], axis=1)

    packed_p = _tc_repack(product_table, 5000)
    bp = _sc_gather(packed_p, pq)
    packed_u = _tc_repack(user_table, 5000)
    bu = _sc_gather(packed_u, uq)

    return _tc_mlp(
        bu, bp, glue,
        W1.T, b1.reshape(1, 32), W2.T, b2.reshape(1, 32),
        W3[:, :EMBED_DIM].T, W3[:, EMBED_DIM:EMBED_DIM + 32].T,
        W3[:, EMBED_DIM + 32:].T, b3.reshape(1, 32),
        W4.T, b4.reshape(1, 1))


def kernel(user_ids, product_ids, user_features, behavior_data,
           user_table, product_table, W1, b1, W2, b2, W3, b3, W4, b4):
    return _run(user_ids, product_ids, user_features, behavior_data,
                user_table, product_table, W1, b1, W2, b2, W3, b3, W4, b4)

# --- scband reference (transcript-rebuilt; emitter-appended) ---
"""Pipeline reference for scband-product-recommender-69526930587702 (READ-ONLY COPY).

The authoritative reference and input builder live on the scoring server;
editing this copy changes nothing except your own understanding.
"""

import jax, jax.numpy as jnp
import numpy as np

N_USERS = 1000000
N_PRODUCTS = 100000
EMBED_DIM = 64
BATCH = 16384


def setup_inputs(seed: int = 0) -> dict:
    key = jax.random.key(seed)
    ks = jax.random.split(key, 16)
    user_ids = jax.random.randint(ks[0], (BATCH,), 0, N_USERS, dtype=jnp.int64 if jax.config.jax_enable_x64 else jnp.int32).astype(jnp.int32)
    product_ids = jax.random.randint(ks[1], (BATCH,), 0, N_PRODUCTS).astype(jnp.int32)
    user_features = jax.random.normal(ks[2], (BATCH, 11), dtype=jnp.float32)
    behavior_data = jax.random.normal(ks[3], (BATCH, 3), dtype=jnp.float32)
    user_table = jax.random.normal(ks[4], (N_USERS, EMBED_DIM), dtype=jnp.float32) * 0.02
    product_table = jax.random.normal(ks[5], (N_PRODUCTS, EMBED_DIM), dtype=jnp.float32) * 0.02
    W1 = jax.random.normal(ks[6], (32, 11), dtype=jnp.float32) * (1.0 / np.sqrt(11))
    b1 = jnp.zeros((32,), dtype=jnp.float32)
    W2 = jax.random.normal(ks[7], (32, 3), dtype=jnp.float32) * (1.0 / np.sqrt(3))
    b2 = jnp.zeros((32,), dtype=jnp.float32)
    W3 = jax.random.normal(ks[8], (32, EMBED_DIM + 64), dtype=jnp.float32) * (1.0 / np.sqrt(EMBED_DIM + 64))
    b3 = jnp.zeros((32,), dtype=jnp.float32)
    W4 = jax.random.normal(ks[9], (1, 32), dtype=jnp.float32) * (1.0 / np.sqrt(32))
    b4 = jnp.zeros((1,), dtype=jnp.float32)
    return {
        'user_ids': user_ids, 'product_ids': product_ids,
        'user_features': user_features, 'behavior_data': behavior_data,
        'user_table': user_table, 'product_table': product_table,
        'W1': W1, 'b1': b1, 'W2': W2, 'b2': b2,
        'W3': W3, 'b3': b3, 'W4': W4, 'b4': b4,
    }


def reference(user_ids, product_ids, user_features, behavior_data,
              user_table, product_table, W1, b1, W2, b2, W3, b3, W4, b4):
    user_embeds = jnp.take(user_table, user_ids, axis=0)
    product_embeds = jnp.take(product_table, product_ids, axis=0)
    user_feat = jax.nn.relu(user_features @ W1.T + b1)
    behavior_feat = jax.nn.relu(behavior_data @ W2.T + b2)
    combined = jnp.concatenate([user_embeds * product_embeds, user_feat, behavior_feat], axis=1)
    h = jax.nn.relu(combined @ W3.T + b3)
    out = jax.nn.sigmoid(h @ W4.T + b4)
    return out

if __name__ == "__main__":
    import jax
    _d = setup_inputs()
    print(jax.jit(kernel)(*tuple(_d.values())))

</pallas_src>

<mosaic_0001>
#map = affine_map<(d0, d1) -> (0, 0)>
#map1 = affine_map<(d0, d1) -> (0)>
module attributes {stable_mosaic.version = 14 : i64} {
  func.func @k(%arg0: i32, %arg1: i32, %arg2: memref<50000x128xf32, #tpu.memory_space<hbm>>, %arg3: memref<16384xi32, #tpu.memory_space<hbm>>, %arg4: memref<16384x128xf32, #tpu.memory_space<hbm>>, %arg5: memref<512xi32, #tpu.memory_space<vmem>>, %arg6: memref<128x128xf32, #tpu.memory_space<vmem>>, %arg7: memref<!tpu.dma_semaphore, #tpu.memory_space<semaphore_mem>>) attributes {dimension_semantics = [#tpu.dimension_semantics<core_parallel>, #tpu.dimension_semantics<subcore_parallel>], iteration_bounds = array<i64: 2, 16>, scalar_prefetch = 0 : i64, scratch_operands = 3 : i64, tpu.core_type = #tpu.core_type<sc_vector_subcore>, window_params = [{transform_indices = #map}, {transform_indices = #map1}, {transform_indices = #map}]} {
    %mul3A = arith.constant 2 : i32
    %mul3A_0 = arith.muli %arg1, %mul3A : i32
    %add3A = arith.addi %mul3A_0, %arg0 : i32
    %mul3A_1 = arith.constant 512 : i32
    %mul3A_2 = arith.muli %add3A, %mul3A_1 : i32
    "tpu.region"() ({
      %run_scoped3A = tpu.sem_alloc : memref<!tpu.dma_semaphore, #tpu.memory_space<semaphore_mem>>
      %dma_start3A_49 = tpu.memref_slice %arg3[%mul3A_2] : memref<16384xi32, #tpu.memory_space<hbm>> -> memref<512xi32, #tpu.memory_space<hbm>>
      %dma_start3A_50 = tpu.memref_slice %arg3[%mul3A_2] : memref<16384xi32, #tpu.memory_space<hbm>> -> memref<512xi32, #tpu.memory_space<hbm>>
      tpu.enqueue_dma source(%dma_start3A_50 : memref<512xi32, #tpu.memory_space<hbm>>) target(%arg5 : memref<512xi32, #tpu.memory_space<vmem>>) target_semaphore(%run_scoped3A : memref<!tpu.dma_semaphore, #tpu.memory_space<semaphore_mem>>)
      %dma_wait3A_51 = tpu.memref_slice %arg3[%mul3A_2] : memref<16384xi32, #tpu.memory_space<hbm>> -> memref<512xi32, #tpu.memory_space<hbm>>
      %dma_wait3A_52 = tpu.memref_slice %arg3[%mul3A_2] : memref<16384xi32, #tpu.memory_space<hbm>> -> memref<512xi32, #tpu.memory_space<hbm>>
      tpu.wait_dma2 semaphore(%run_scoped3A : memref<!tpu.dma_semaphore, #tpu.memory_space<semaphore_mem>>) src(%dma_wait3A_52 : memref<512xi32, #tpu.memory_space<hbm>>) dst(%arg5 : memref<512xi32, #tpu.memory_space<vmem>>)
      tpu.yield
    }) : () -> ()
    %dma_start3A = arith.constant 0 : i32
    %dma_start3A_3 = tpu.memref_slice %arg5[%dma_start3A] : memref<512xi32, #tpu.memory_space<vmem>> -> memref<128xi32, #tpu.memory_space<vmem>>
    %dma_start3A_4 = arith.constant 0 : i32
    %dma_start3A_5 = arith.constant 0 : i32
    %dma_start3A_6 = tpu.memref_slice %arg2[%dma_start3A_4, %dma_start3A_5] : memref<50000x128xf32, #tpu.memory_space<hbm>> -> memref<50000x128xf32, #tpu.memory_space<hbm>>
    tpu.enqueue_indirect_dma source(%dma_start3A_6 : memref<50000x128xf32, #tpu.memory_space<hbm>>) target(%arg6 : memref<128x128xf32, #tpu.memory_space<vmem>>) offsets(%dma_start3A_3 : memref<128xi32, #tpu.memory_space<vmem>>) semaphore(%arg7 : memref<!tpu.dma_semaphore, #tpu.memory_space<semaphore_mem>>)
    %dma_wait3A = arith.constant 0 : i32
    %dma_wait3A_7 = tpu.memref_slice %arg5[%dma_wait3A] : memref<512xi32, #tpu.memory_space<vmem>> -> memref<128xi32, #tpu.memory_space<vmem>>
    %dma_wait3A_8 = arith.constant 0 : i32
    %dma_wait3A_9 = arith.constant 0 : i32
    %dma_wait3A_10 = tpu.memref_slice %arg2[%dma_wait3A_8, %dma_wait3A_9] : memref<50000x128xf32, #tpu.memory_space<hbm>> -> memref<50000x128xf32, #tpu.memory_space<hbm>>
    tpu.wait_indirect_dma semaphore(%arg7 : memref<!tpu.dma_semaphore, #tpu.memory_space<semaphore_mem>>) src(%dma_wait3A_10 : memref<50000x128xf32, #tpu.memory_space<hbm>>) dst(%arg6 : memref<128x128xf32, #tpu.memory_space<vmem>>)
    %add3A_11 = arith.constant 0 : i32
    %add3A_12 = arith.addi %mul3A_2, %add3A_11 : i32
    "tpu.region"() ({
      %run_scoped3A = tpu.sem_alloc : memref<!tpu.dma_semaphore, #tpu.memory_space<semaphore_mem>>
      %dma_start3A_49 = arith.constant 0 : i32
      %dma_start3A_50 = tpu.memref_slice %arg4[%add3A_12, %dma_start3A_49] : memref<16384x128xf32, #tpu.memory_space<hbm>> -> memref<128x128xf32, #tpu.memory_space<hbm>>
      %dma_start3A_51 = arith.constant 0 : i32
      %dma_start3A_52 = tpu.memref_slice %arg4[%add3A_12, %dma_start3A_51] : memref<16384x128xf32, #tpu.memory_space<hbm>> -> memref<128x128xf32, #tpu.memory_space<hbm>>
      tpu.enqueue_dma source(%arg6 : memref<128x128xf32, #tpu.memory_space<vmem>>) target(%dma_start3A_52 : memref<128x128xf32, #tpu.memory_space<hbm>>) target_semaphore(%run_scoped3A : memref<!tpu.dma_semaphore, #tpu.memory_space<semaphore_mem>>)
      %dma_wait3A_53 = arith.constant 0 : i32
      %dma_wait3A_54 = tpu.memref_slice %arg4[%add3A_12, %dma_wait3A_53] : memref<16384x128xf32, #tpu.memory_space<hbm>> -> memref<128x128xf32, #tpu.memory_space<hbm>>
      %dma_wait3A_55 = arith.constant 0 : i32
      %dma_wait3A_56 = tpu.memref_slice %arg4[%add3A_12, %dma_wait3A_55] : memref<16384x128xf32, #tpu.memory_space<hbm>> -> memref<128x128xf32, #tpu.memory_space<hbm>>
      tpu.wait_dma2 semaphore(%run_scoped3A : memref<!tpu.dma_semaphore, #tpu.memory_space<semaphore_mem>>) src(%arg6 : memref<128x128xf32, #tpu.memory_space<vmem>>) dst(%dma_wait3A_56 : memref<128x128xf32, #tpu.memory_space<hbm>>)
      tpu.yield
    }) : () -> ()
    %dma_start3A_13 = arith.constant 128 : i32
    %dma_start3A_14 = tpu.memref_slice %arg5[%dma_start3A_13] : memref<512xi32, #tpu.memory_space<vmem>> -> memref<128xi32, #tpu.memory_space<vmem>>
    %dma_start3A_15 = arith.constant 0 : i32
    %dma_start3A_16 = arith.constant 0 : i32
    %dma_start3A_17 = tpu.memref_slice %arg2[%dma_start3A_15, %dma_start3A_16] : memref<50000x128xf32, #tpu.memory_space<hbm>> -> memref<50000x128xf32, #tpu.memory_space<hbm>>
    tpu.enqueue_indirect_dma source(%dma_start3A_17 : memref<50000x128xf32, #tpu.memory_space<hbm>>) target(%arg6 : memref<128x128xf32, #tpu.memory_space<vmem>>) offsets(%dma_start3A_14 : memref<128xi32, #tpu.memory_space<vmem>>) semaphore(%arg7 : memref<!tpu.dma_semaphore, #tpu.memory_space<semaphore_mem>>)
    %dma_wait3A_18 = arith.constant 128 : i32
    %dma_wait3A_19 = tpu.memref_slice %arg5[%dma_wait3A_18] : memref<512xi32, #tpu.memory_space<vmem>> -> memref<128xi32, #tpu.memory_space<vmem>>
    %dma_wait3A_20 = arith.constant 0 : i32
    %dma_wait3A_21 = arith.constant 0 : i32
    %dma_wait3A_22 = tpu.memref_slice %arg2[%dma_wait3A_20, %dma_wait3A_21] : memref<50000x128xf32, #tpu.memory_space<hbm>> -> memref<50000x128xf32, #tpu.memory_space<hbm>>
    tpu.wait_indirect_dma semaphore(%arg7 : memref<!tpu.dma_semaphore, #tpu.memory_space<semaphore_mem>>) src(%dma_wait3A_22 : memref<50000x128xf32, #tpu.memory_space<hbm>>) dst(%arg6 : memref<128x128xf32, #tpu.memory_space<vmem>>)
    %add3A_23 = arith.constant 128 : i32
    %add3A_24 = arith.addi %mul3A_2, %add3A_23 : i32
    "tpu.region"() ({
      %run_scoped3A = tpu.sem_alloc : memref<!tpu.dma_semaphore, #tpu.memory_space<semaphore_mem>>
      %dma_start3A_49 = arith.constant 0 : i32
      %dma_start3A_50 = tpu.memref_slice %arg4[%add3A_24, %dma_start3A_49] : memref<16384x128xf32, #tpu.memory_space<hbm>> -> memref<128x128xf32, #tpu.memory_space<hbm>>
      %dma_start3A_51 = arith.constant 0 : i32
      %dma_start3A_52 = tpu.memref_slice %arg4[%add3A_24, %dma_start3A_51] : memref<16384x128xf32, #tpu.memory_space<hbm>> -> memref<128x128xf32, #tpu.memory_space<hbm>>
      tpu.enqueue_dma source(%arg6 : memref<128x128xf32, #tpu.memory_space<vmem>>) target(%dma_start3A_52 : memref<128x128xf32, #tpu.memory_space<hbm>>) target_semaphore(%run_scoped3A : memref<!tpu.dma_semaphore, #tpu.memory_space<semaphore_mem>>)
      %dma_wait3A_53 = arith.constant 0 : i32
      %dma_wait3A_54 = tpu.memref_slice %arg4[%add3A_24, %dma_wait3A_53] : memref<16384x128xf32, #tpu.memory_space<hbm>> -> memref<128x128xf32, #tpu.memory_space<hbm>>
      %dma_wait3A_55 = arith.constant 0 : i32
      %dma_wait3A_56 = tpu.memref_slice %arg4[%add3A_24, %dma_wait3A_55] : memref<16384x128xf32, #tpu.memory_space<hbm>> -> memref<128x128xf32, #tpu.memory_space<hbm>>
      tpu.wait_dma2 semaphore(%run_scoped3A : memref<!tpu.dma_semaphore, #tpu.memory_space<semaphore_mem>>) src(%arg6 : memref<128x128xf32, #tpu.memory_space<vmem>>) dst(%dma_wait3A_56 : memref<128x128xf32, #tpu.memory_space<hbm>>)
      tpu.yield
    }) : () -> ()
    %dma_start3A_25 = arith.constant 256 : i32
    %dma_start3A_26 = tpu.memref_slice %arg5[%dma_start3A_25] : memref<512xi32, #tpu.memory_space<vmem>> -> memref<128xi32, #tpu.memory_space<vmem>>
    %dma_start3A_27 = arith.constant 0 : i32
    %dma_start3A_28 = arith.constant 0 : i32
    %dma_start3A_29 = tpu.memref_slice %arg2[%dma_start3A_27, %dma_start3A_28] : memref<50000x128xf32, #tpu.memory_space<hbm>> -> memref<50000x128xf32, #tpu.memory_space<hbm>>
    tpu.enqueue_indirect_dma source(%dma_start3A_29 : memref<50000x128xf32, #tpu.memory_space<hbm>>) target(%arg6 : memref<128x128xf32, #tpu.memory_space<vmem>>) offsets(%dma_start3A_26 : memref<128xi32, #tpu.memory_space<vmem>>) semaphore(%arg7 : memref<!tpu.dma_semaphore, #tpu.memory_space<semaphore_mem>>)
    %dma_wait3A_30 = arith.constant 256 : i32
    %dma_wait3A_31 = tpu.memref_slice %arg5[%dma_wait3A_30] : memref<512xi32, #tpu.memory_space<vmem>> -> memref<128xi32, #tpu.memory_space<vmem>>
    %dma_wait3A_32 = arith.constant 0 : i32
    %dma_wait3A_33 = arith.constant 0 : i32
    %dma_wait3A_34 = tpu.memref_slice %arg2[%dma_wait3A_32, %dma_wait3A_33] : memref<50000x128xf32, #tpu.memory_space<hbm>> -> memref<50000x128xf32, #tpu.memory_space<hbm>>
    tpu.wait_indirect_dma semaphore(%arg7 : memref<!tpu.dma_semaphore, #tpu.memory_space<semaphore_mem>>) src(%dma_wait3A_34 : memref<50000x128xf32, #tpu.memory_space<hbm>>) dst(%arg6 : memref<128x128xf32, #tpu.memory_space<vmem>>)
    %add3A_35 = arith.constant 256 : i32
    %add3A_36 = arith.addi %mul3A_2, %add3A_35 : i32
    "tpu.region"() ({
      %run_scoped3A = tpu.sem_alloc : memref<!tpu.dma_semaphore, #tpu.memory_space<semaphore_mem>>
      %dma_start3A_49 = arith.constant 0 : i32
      %dma_start3A_50 = tpu.memref_slice %arg4[%add3A_36, %dma_start3A_49] : memref<16384x128xf32, #tpu.memory_space<hbm>> -> memref<128x128xf32, #tpu.memory_space<hbm>>
      %dma_start3A_51 = arith.constant 0 : i32
      %dma_start3A_52 = tpu.memref_slice %arg4[%add3A_36, %dma_start3A_51] : memref<16384x128xf32, #tpu.memory_space<hbm>> -> memref<128x128xf32, #tpu.memory_space<hbm>>
      tpu.enqueue_dma source(%arg6 : memref<128x128xf32, #tpu.memory_space<vmem>>) target(%dma_start3A_52 : memref<128x128xf32, #tpu.memory_space<hbm>>) target_semaphore(%run_scoped3A : memref<!tpu.dma_semaphore, #tpu.memory_space<semaphore_mem>>)
      %dma_wait3A_53 = arith.constant 0 : i32
      %dma_wait3A_54 = tpu.memref_slice %arg4[%add3A_36, %dma_wait3A_53] : memref<16384x128xf32, #tpu.memory_space<hbm>> -> memref<128x128xf32, #tpu.memory_space<hbm>>
      %dma_wait3A_55 = arith.constant 0 : i32
      %dma_wait3A_56 = tpu.memref_slice %arg4[%add3A_36, %dma_wait3A_55] : memref<16384x128xf32, #tpu.memory_space<hbm>> -> memref<128x128xf32, #tpu.memory_space<hbm>>
      tpu.wait_dma2 semaphore(%run_scoped3A : memref<!tpu.dma_semaphore, #tpu.memory_space<semaphore_mem>>) src(%arg6 : memref<128x128xf32, #tpu.memory_space<vmem>>) dst(%dma_wait3A_56 : memref<128x128xf32, #tpu.memory_space<hbm>>)
      tpu.yield
    }) : () -> ()
    %dma_start3A_37 = arith.constant 384 : i32
    %dma_start3A_38 = tpu.memref_slice %arg5[%dma_start3A_37] : memref<512xi32, #tpu.memory_space<vmem>> -> memref<128xi32, #tpu.memory_space<vmem>>
    %dma_start3A_39 = arith.constant 0 : i32
    %dma_start3A_40 = arith.constant 0 : i32
    %dma_start3A_41 = tpu.memref_slice %arg2[%dma_start3A_39, %dma_start3A_40] : memref<50000x128xf32, #tpu.memory_space<hbm>> -> memref<50000x128xf32, #tpu.memory_space<hbm>>
    tpu.enqueue_indirect_dma source(%dma_start3A_41 : memref<50000x128xf32, #tpu.memory_space<hbm>>) target(%arg6 : memref<128x128xf32, #tpu.memory_space<vmem>>) offsets(%dma_start3A_38 : memref<128xi32, #tpu.memory_space<vmem>>) semaphore(%arg7 : memref<!tpu.dma_semaphore, #tpu.memory_space<semaphore_mem>>)
    %dma_wait3A_42 = arith.constant 384 : i32
    %dma_wait3A_43 = tpu.memref_slice %arg5[%dma_wait3A_42] : memref<512xi32, #tpu.memory_space<vmem>> -> memref<128xi32, #tpu.memory_space<vmem>>
    %dma_wait3A_44 = arith.constant 0 : i32
    %dma_wait3A_45 = arith.constant 0 : i32
    %dma_wait3A_46 = tpu.memref_slice %arg2[%dma_wait3A_44, %dma_wait3A_45] : memref<50000x128xf32, #tpu.memory_space<hbm>> -> memref<50000x128xf32, #tpu.memory_space<hbm>>
    tpu.wait_indirect_dma semaphore(%arg7 : memref<!tpu.dma_semaphore, #tpu.memory_space<semaphore_mem>>) src(%dma_wait3A_46 : memref<50000x128xf32, #tpu.memory_space<hbm>>) dst(%arg6 : memref<128x128xf32, #tpu.memory_space<vmem>>)
    %add3A_47 = arith.constant 384 : i32
    %add3A_48 = arith.addi %mul3A_2, %add3A_47 : i32
    "tpu.region"() ({
      %run_scoped3A = tpu.sem_alloc : memref<!tpu.dma_semaphore, #tpu.memory_space<semaphore_mem>>
      %dma_start3A_49 = arith.constant 0 : i32
      %dma_start3A_50 = tpu.memref_slice %arg4[%add3A_48, %dma_start3A_49] : memref<16384x128xf32, #tpu.memory_space<hbm>> -> memref<128x128xf32, #tpu.memory_space<hbm>>
      %dma_start3A_51 = arith.constant 0 : i32
      %dma_start3A_52 = tpu.memref_slice %arg4[%add3A_48, %dma_start3A_51] : memref<16384x128xf32, #tpu.memory_space<hbm>> -> memref<128x128xf32, #tpu.memory_space<hbm>>
      tpu.enqueue_dma source(%arg6 : memref<128x128xf32, #tpu.memory_space<vmem>>) target(%dma_start3A_52 : memref<128x128xf32, #tpu.memory_space<hbm>>) target_semaphore(%run_scoped3A : memref<!tpu.dma_semaphore, #tpu.memory_space<semaphore_mem>>)
      %dma_wait3A_53 = arith.constant 0 : i32
      %dma_wait3A_54 = tpu.memref_slice %arg4[%add3A_48, %dma_wait3A_53] : memref<16384x128xf32, #tpu.memory_space<hbm>> -> memref<128x128xf32, #tpu.memory_space<hbm>>
      %dma_wait3A_55 = arith.constant 0 : i32
      %dma_wait3A_56 = tpu.memref_slice %arg4[%add3A_48, %dma_wait3A_55] : memref<16384x128xf32, #tpu.memory_space<hbm>> -> memref<128x128xf32, #tpu.memory_space<hbm>>
      tpu.wait_dma2 semaphore(%run_scoped3A : memref<!tpu.dma_semaphore, #tpu.memory_space<semaphore_mem>>) src(%arg6 : memref<128x128xf32, #tpu.memory_space<vmem>>) dst(%dma_wait3A_56 : memref<128x128xf32, #tpu.memory_space<hbm>>)
      tpu.yield
    }) : () -> ()
    return
  }
}

#map = affine_map<(d0, d1) -> (0, 0)>
#map1 = affine_map<(d0, d1) -> (0)>
module attributes {stable_mosaic.version = 14 : i64} {
  func.func @k(%arg0: i32, %arg1: i32, %arg2: memref<500000x128xf32, #tpu.memory_space<hbm>>, %arg3: memref<16384xi32, #tpu.memory_space<hbm>>, %arg4: memref<16384x128xf32, #tpu.memory_space<hbm>>, %arg5: memref<512xi32, #tpu.memory_space<vmem>>, %arg6: memref<128x128xf32, #tpu.memory_space<vmem>>, %arg7: memref<!tpu.dma_semaphore, #tpu.memory_space<semaphore_mem>>) attributes {dimension_semantics = [#tpu.dimension_semantics<core_parallel>, #tpu.dimension_semantics<subcore_parallel>], iteration_bounds = array<i64: 2, 16>, scalar_prefetch = 0 : i64, scratch_operands = 3 : i64, tpu.core_type = #tpu.core_type<sc_vector_subcore>, window_params = [{transform_indices = #map}, {transform_indices = #map1}, {transform_indices = #map}]} {
    %mul3A = arith.constant 2 : i32
    %mul3A_0 = arith.muli %arg1, %mul3A : i32
    %add3A = arith.addi %mul3A_0, %arg0 : i32
    %mul3A_1 = arith.constant 512 : i32
    %mul3A_2 = arith.muli %add3A, %mul3A_1 : i32
    "tpu.region"() ({
      %run_scoped3A = tpu.sem_alloc : memref<!tpu.dma_semaphore, #tpu.memory_space<semaphore_mem>>
      %dma_start3A_49 = tpu.memref_slice %arg3[%mul3A_2] : memref<16384xi32, #tpu.memory_space<hbm>> -> memref<512xi32, #tpu.memory_space<hbm>>
      %dma_start3A_50 = tpu.memref_slice %arg3[%mul3A_2] : memref<16384xi32, #tpu.memory_space<hbm>> -> memref<512xi32, #tpu.memory_space<hbm>>
      tpu.enqueue_dma source(%dma_start3A_50 : memref<512xi32, #tpu.memory_space<hbm>>) target(%arg5 : memref<512xi32, #tpu.memory_space<vmem>>) target_semaphore(%run_scoped3A : memref<!tpu.dma_semaphore, #tpu.memory_space<semaphore_mem>>)
      %dma_wait3A_51 = tpu.memref_slice %arg3[%mul3A_2] : memref<16384xi32, #tpu.memory_space<hbm>> -> memref<512xi32, #tpu.memory_space<hbm>>
      %dma_wait3A_52 = tpu.memref_slice %arg3[%mul3A_2] : memref<16384xi32, #tpu.memory_space<hbm>> -> memref<512xi32, #tpu.memory_space<hbm>>
      tpu.wait_dma2 semaphore(%run_scoped3A : memref<!tpu.dma_semaphore, #tpu.memory_space<semaphore_mem>>) src(%dma_wait3A_52 : memref<512xi32, #tpu.memory_space<hbm>>) dst(%arg5 : memref<512xi32, #tpu.memory_space<vmem>>)
      tpu.yield
    }) : () -> ()
    %dma_start3A = arith.constant 0 : i32
    %dma_start3A_3 = tpu.memref_slice %arg5[%dma_start3A] : memref<512xi32, #tpu.memory_space<vmem>> -> memref<128xi32, #tpu.memory_space<vmem>>
    %dma_start3A_4 = arith.constant 0 : i32
    %dma_start3A_5 = arith.constant 0 : i32
    %dma_start3A_6 = tpu.memref_slice %arg2[%dma_start3A_4, %dma_start3A_5] : memref<500000x128xf32, #tpu.memory_space<hbm>> -> memref<500000x128xf32, #tpu.memory_space<hbm>>
    tpu.enqueue_indirect_dma source(%dma_start3A_6 : memref<500000x128xf32, #tpu.memory_space<hbm>>) target(%arg6 : memref<128x128xf32, #tpu.memory_space<vmem>>) offsets(%dma_start3A_3 : memref<128xi32, #tpu.memory_space<vmem>>) semaphore(%arg7 : memref<!tpu.dma_semaphore, #tpu.memory_space<semaphore_mem>>)
    %dma_wait3A = arith.constant 0 : i32
    %dma_wait3A_7 = tpu.memref_slice %arg5[%dma_wait3A] : memref<512xi32, #tpu.memory_space<vmem>> -> memref<128xi32, #tpu.memory_space<vmem>>
    %dma_wait3A_8 = arith.constant 0 : i32
    %dma_wait3A_9 = arith.constant 0 : i32
    %dma_wait3A_10 = tpu.memref_slice %arg2[%dma_wait3A_8, %dma_wait3A_9] : memref<500000x128xf32, #tpu.memory_space<hbm>> -> memref<500000x128xf32, #tpu.memory_space<hbm>>
    tpu.wait_indirect_dma semaphore(%arg7 : memref<!tpu.dma_semaphore, #tpu.memory_space<semaphore_mem>>) src(%dma_wait3A_10 : memref<500000x128xf32, #tpu.memory_space<hbm>>) dst(%arg6 : memref<128x128xf32, #tpu.memory_space<vmem>>)
    %add3A_11 = arith.constant 0 : i32
    %add3A_12 = arith.addi %mul3A_2, %add3A_11 : i32
    "tpu.region"() ({
      %run_scoped3A = tpu.sem_alloc : memref<!tpu.dma_semaphore, #tpu.memory_space<semaphore_mem>>
      %dma_start3A_49 = arith.constant 0 : i32
      %dma_start3A_50 = tpu.memref_slice %arg4[%add3A_12, %dma_start3A_49] : memref<16384x128xf32, #tpu.memory_space<hbm>> -> memref<128x128xf32, #tpu.memory_space<hbm>>
      %dma_start3A_51 = arith.constant 0 : i32
      %dma_start3A_52 = tpu.memref_slice %arg4[%add3A_12, %dma_start3A_51] : memref<16384x128xf32, #tpu.memory_space<hbm>> -> memref<128x128xf32, #tpu.memory_space<hbm>>
      tpu.enqueue_dma source(%arg6 : memref<128x128xf32, #tpu.memory_space<vmem>>) target(%dma_start3A_52 : memref<128x128xf32, #tpu.memory_space<hbm>>) target_semaphore(%run_scoped3A : memref<!tpu.dma_semaphore, #tpu.memory_space<semaphore_mem>>)
      %dma_wait3A_53 = arith.constant 0 : i32
      %dma_wait3A_54 = tpu.memref_slice %arg4[%add3A_12, %dma_wait3A_53] : memref<16384x128xf32, #tpu.memory_space<hbm>> -> memref<128x128xf32, #tpu.memory_space<hbm>>
      %dma_wait3A_55 = arith.constant 0 : i32
      %dma_wait3A_56 = tpu.memref_slice %arg4[%add3A_12, %dma_wait3A_55] : memref<16384x128xf32, #tpu.memory_space<hbm>> -> memref<128x128xf32, #tpu.memory_space<hbm>>
      tpu.wait_dma2 semaphore(%run_scoped3A : memref<!tpu.dma_semaphore, #tpu.memory_space<semaphore_mem>>) src(%arg6 : memref<128x128xf32, #tpu.memory_space<vmem>>) dst(%dma_wait3A_56 : memref<128x128xf32, #tpu.memory_space<hbm>>)
      tpu.yield
    }) : () -> ()
    %dma_start3A_13 = arith.constant 128 : i32
    %dma_start3A_14 = tpu.memref_slice %arg5[%dma_start3A_13] : memref<512xi32, #tpu.memory_space<vmem>> -> memref<128xi32, #tpu.memory_space<vmem>>
    %dma_start3A_15 = arith.constant 0 : i32
    %dma_start3A_16 = arith.constant 0 : i32
    %dma_start3A_17 = tpu.memref_slice %arg2[%dma_start3A_15, %dma_start3A_16] : memref<500000x128xf32, #tpu.memory_space<hbm>> -> memref<500000x128xf32, #tpu.memory_space<hbm>>
    tpu.enqueue_indirect_dma source(%dma_start3A_17 : memref<500000x128xf32, #tpu.memory_space<hbm>>) target(%arg6 : memref<128x128xf32, #tpu.memory_space<vmem>>) offsets(%dma_start3A_14 : memref<128xi32, #tpu.memory_space<vmem>>) semaphore(%arg7 : memref<!tpu.dma_semaphore, #tpu.memory_space<semaphore_mem>>)
    %dma_wait3A_18 = arith.constant 128 : i32
    %dma_wait3A_19 = tpu.memref_slice %arg5[%dma_wait3A_18] : memref<512xi32, #tpu.memory_space<vmem>> -> memref<128xi32, #tpu.memory_space<vmem>>
    %dma_wait3A_20 = arith.constant 0 : i32
    %dma_wait3A_21 = arith.constant 0 : i32
    %dma_wait3A_22 = tpu.memref_slice %arg2[%dma_wait3A_20, %dma_wait3A_21] : memref<500000x128xf32, #tpu.memory_space<hbm>> -> memref<500000x128xf32, #tpu.memory_space<hbm>>
    tpu.wait_indirect_dma semaphore(%arg7 : memref<!tpu.dma_semaphore, #tpu.memory_space<semaphore_mem>>) src(%dma_wait3A_22 : memref<500000x128xf32, #tpu.memory_space<hbm>>) dst(%arg6 : memref<128x128xf32, #tpu.memory_space<vmem>>)
    %add3A_23 = arith.constant 128 : i32
    %add3A_24 = arith.addi %mul3A_2, %add3A_23 : i32
    "tpu.region"() ({
      %run_scoped3A = tpu.sem_alloc : memref<!tpu.dma_semaphore, #tpu.memory_space<semaphore_mem>>
      %dma_start3A_49 = arith.constant 0 : i32
      %dma_start3A_50 = tpu.memref_slice %arg4[%add3A_24, %dma_start3A_49] : memref<16384x128xf32, #tpu.memory_space<hbm>> -> memref<128x128xf32, #tpu.memory_space<hbm>>
      %dma_start3A_51 = arith.constant 0 : i32
      %dma_start3A_52 = tpu.memref_slice %arg4[%add3A_24, %dma_start3A_51] : memref<16384x128xf32, #tpu.memory_space<hbm>> -> memref<128x128xf32, #tpu.memory_space<hbm>>
      tpu.enqueue_dma source(%arg6 : memref<128x128xf32, #tpu.memory_space<vmem>>) target(%dma_start3A_52 : memref<128x128xf32, #tpu.memory_space<hbm>>) target_semaphore(%run_scoped3A : memref<!tpu.dma_semaphore, #tpu.memory_space<semaphore_mem>>)
      %dma_wait3A_53 = arith.constant 0 : i32
      %dma_wait3A_54 = tpu.memref_slice %arg4[%add3A_24, %dma_wait3A_53] : memref<16384x128xf32, #tpu.memory_space<hbm>> -> memref<128x128xf32, #tpu.memory_space<hbm>>
      %dma_wait3A_55 = arith.constant 0 : i32
      %dma_wait3A_56 = tpu.memref_slice %arg4[%add3A_24, %dma_wait3A_55] : memref<16384x128xf32, #tpu.memory_space<hbm>> -> memref<128x128xf32, #tpu.memory_space<hbm>>
      tpu.wait_dma2 semaphore(%run_scoped3A : memref<!tpu.dma_semaphore, #tpu.memory_space<semaphore_mem>>) src(%arg6 : memref<128x128xf32, #tpu.memory_space<vmem>>) dst(%dma_wait3A_56 : memref<128x128xf32, #tpu.memory_space<hbm>>)
      tpu.yield
    }) : () -> ()
    %dma_start3A_25 = arith.constant 256 : i32
    %dma_start3A_26 = tpu.memref_slice %arg5[%dma_start3A_25] : memref<512xi32, #tpu.memory_space<vmem>> -> memref<128xi32, #tpu.memory_space<vmem>>
    %dma_start3A_27 = arith.constant 0 : i32
    %dma_start3A_28 = arith.constant 0 : i32
    %dma_start3A_29 = tpu.memref_slice %arg2[%dma_start3A_27, %dma_start3A_28] : memref<500000x128xf32, #tpu.memory_space<hbm>> -> memref<500000x128xf32, #tpu.memory_space<hbm>>
    tpu.enqueue_indirect_dma source(%dma_start3A_29 : memref<500000x128xf32, #tpu.memory_space<hbm>>) target(%arg6 : memref<128x128xf32, #tpu.memory_space<vmem>>) offsets(%dma_start3A_26 : memref<128xi32, #tpu.memory_space<vmem>>) semaphore(%arg7 : memref<!tpu.dma_semaphore, #tpu.memory_space<semaphore_mem>>)
    %dma_wait3A_30 = arith.constant 256 : i32
    %dma_wait3A_31 = tpu.memref_slice %arg5[%dma_wait3A_30] : memref<512xi32, #tpu.memory_space<vmem>> -> memref<128xi32, #tpu.memory_space<vmem>>
    %dma_wait3A_32 = arith.constant 0 : i32
    %dma_wait3A_33 = arith.constant 0 : i32
    %dma_wait3A_34 = tpu.memref_slice %arg2[%dma_wait3A_32, %dma_wait3A_33] : memref<500000x128xf32, #tpu.memory_space<hbm>> -> memref<500000x128xf32, #tpu.memory_space<hbm>>
    tpu.wait_indirect_dma semaphore(%arg7 : memref<!tpu.dma_semaphore, #tpu.memory_space<semaphore_mem>>) src(%dma_wait3A_34 : memref<500000x128xf32, #tpu.memory_space<hbm>>) dst(%arg6 : memref<128x128xf32, #tpu.memory_space<vmem>>)
    %add3A_35 = arith.constant 256 : i32
    %add3A_36 = arith.addi %mul3A_2, %add3A_35 : i32
    "tpu.region"() ({
      %run_scoped3A = tpu.sem_alloc : memref<!tpu.dma_semaphore, #tpu.memory_space<semaphore_mem>>
      %dma_start3A_49 = arith.constant 0 : i32
      %dma_start3A_50 = tpu.memref_slice %arg4[%add3A_36, %dma_start3A_49] : memref<16384x128xf32, #tpu.memory_space<hbm>> -> memref<128x128xf32, #tpu.memory_space<hbm>>
      %dma_start3A_51 = arith.constant 0 : i32
      %dma_start3A_52 = tpu.memref_slice %arg4[%add3A_36, %dma_start3A_51] : memref<16384x128xf32, #tpu.memory_space<hbm>> -> memref<128x128xf32, #tpu.memory_space<hbm>>
      tpu.enqueue_dma source(%arg6 : memref<128x128xf32, #tpu.memory_space<vmem>>) target(%dma_start3A_52 : memref<128x128xf32, #tpu.memory_space<hbm>>) target_semaphore(%run_scoped3A : memref<!tpu.dma_semaphore, #tpu.memory_space<semaphore_mem>>)
      %dma_wait3A_53 = arith.constant 0 : i32
      %dma_wait3A_54 = tpu.memref_slice %arg4[%add3A_36, %dma_wait3A_53] : memref<16384x128xf32, #tpu.memory_space<hbm>> -> memref<128x128xf32, #tpu.memory_space<hbm>>
      %dma_wait3A_55 = arith.constant 0 : i32
      %dma_wait3A_56 = tpu.memref_slice %arg4[%add3A_36, %dma_wait3A_55] : memref<16384x128xf32, #tpu.memory_space<hbm>> -> memref<128x128xf32, #tpu.memory_space<hbm>>
      tpu.wait_dma2 semaphore(%run_scoped3A : memref<!tpu.dma_semaphore, #tpu.memory_space<semaphore_mem>>) src(%arg6 : memref<128x128xf32, #tpu.memory_space<vmem>>) dst(%dma_wait3A_56 : memref<128x128xf32, #tpu.memory_space<hbm>>)
      tpu.yield
    }) : () -> ()
    %dma_start3A_37 = arith.constant 384 : i32
    %dma_start3A_38 = tpu.memref_slice %arg5[%dma_start3A_37] : memref<512xi32, #tpu.memory_space<vmem>> -> memref<128xi32, #tpu.memory_space<vmem>>
    %dma_start3A_39 = arith.constant 0 : i32
    %dma_start3A_40 = arith.constant 0 : i32
    %dma_start3A_41 = tpu.memref_slice %arg2[%dma_start3A_39, %dma_start3A_40] : memref<500000x128xf32, #tpu.memory_space<hbm>> -> memref<500000x128xf32, #tpu.memory_space<hbm>>
    tpu.enqueue_indirect_dma source(%dma_start3A_41 : memref<500000x128xf32, #tpu.memory_space<hbm>>) target(%arg6 : memref<128x128xf32, #tpu.memory_space<vmem>>) offsets(%dma_start3A_38 : memref<128xi32, #tpu.memory_space<vmem>>) semaphore(%arg7 : memref<!tpu.dma_semaphore, #tpu.memory_space<semaphore_mem>>)
    %dma_wait3A_42 = arith.constant 384 : i32
    %dma_wait3A_43 = tpu.memref_slice %arg5[%dma_wait3A_42] : memref<512xi32, #tpu.memory_space<vmem>> -> memref<128xi32, #tpu.memory_space<vmem>>
    %dma_wait3A_44 = arith.constant 0 : i32
    %dma_wait3A_45 = arith.constant 0 : i32
    %dma_wait3A_46 = tpu.memref_slice %arg2[%dma_wait3A_44, %dma_wait3A_45] : memref<500000x128xf32, #tpu.memory_space<hbm>> -> memref<500000x128xf32, #tpu.memory_space<hbm>>
    tpu.wait_indirect_dma semaphore(%arg7 : memref<!tpu.dma_semaphore, #tpu.memory_space<semaphore_mem>>) src(%dma_wait3A_46 : memref<500000x128xf32, #tpu.memory_space<hbm>>) dst(%arg6 : memref<128x128xf32, #tpu.memory_space<vmem>>)
    %add3A_47 = arith.constant 384 : i32
    %add3A_48 = arith.addi %mul3A_2, %add3A_47 : i32
    "tpu.region"() ({
      %run_scoped3A = tpu.sem_alloc : memref<!tpu.dma_semaphore, #tpu.memory_space<semaphore_mem>>
      %dma_start3A_49 = arith.constant 0 : i32
      %dma_start3A_50 = tpu.memref_slice %arg4[%add3A_48, %dma_start3A_49] : memref<16384x128xf32, #tpu.memory_space<hbm>> -> memref<128x128xf32, #tpu.memory_space<hbm>>
      %dma_start3A_51 = arith.constant 0 : i32
      %dma_start3A_52 = tpu.memref_slice %arg4[%add3A_48, %dma_start3A_51] : memref<16384x128xf32, #tpu.memory_space<hbm>> -> memref<128x128xf32, #tpu.memory_space<hbm>>
      tpu.enqueue_dma source(%arg6 : memref<128x128xf32, #tpu.memory_space<vmem>>) target(%dma_start3A_52 : memref<128x128xf32, #tpu.memory_space<hbm>>) target_semaphore(%run_scoped3A : memref<!tpu.dma_semaphore, #tpu.memory_space<semaphore_mem>>)
      %dma_wait3A_53 = arith.constant 0 : i32
      %dma_wait3A_54 = tpu.memref_slice %arg4[%add3A_48, %dma_wait3A_53] : memref<16384x128xf32, #tpu.memory_space<hbm>> -> memref<128x128xf32, #tpu.memory_space<hbm>>
      %dma_wait3A_55 = arith.constant 0 : i32
      %dma_wait3A_56 = tpu.memref_slice %arg4[%add3A_48, %dma_wait3A_55] : memref<16384x128xf32, #tpu.memory_space<hbm>> -> memref<128x128xf32, #tpu.memory_space<hbm>>
      tpu.wait_dma2 semaphore(%run_scoped3A : memref<!tpu.dma_semaphore, #tpu.memory_space<semaphore_mem>>) src(%arg6 : memref<128x128xf32, #tpu.memory_space<vmem>>) dst(%dma_wait3A_56 : memref<128x128xf32, #tpu.memory_space<hbm>>)
      tpu.yield
    }) : () -> ()
    return
  }
}

module attributes {stable_mosaic.version = 14 : i64} {
  func.func @_repack_body(%arg0: i32, %arg1: memref<5000x64xf32, #tpu.memory_space<vmem>>, %arg2: memref<5000x64xf32, #tpu.memory_space<vmem>>, %arg3: memref<5000x128xf32, #tpu.memory_space<vmem>>) attributes {dimension_semantics = [#tpu.dimension_semantics<arbitrary>], iteration_bounds = array<i64: 100>, scalar_prefetch = 0 : i64, scratch_operands = 0 : i64, tpu.core_type = #tpu.core_type<tc>, window_params = [{transform_indices = @transform_0, window_bounds = array<i64: 5000, 64>}, {transform_indices = @transform_1, window_bounds = array<i64: 5000, 64>}, {transform_indices = @transform_2, window_bounds = array<i64: 5000, 128>}]} {
    %get3A = arith.constant 0 : index
    %get3A_0 = arith.constant 0 : index
    %get3A_1 = vector.load %arg1[%get3A, %get3A_0] : memref<5000x64xf32, #tpu.memory_space<vmem>>, vector<5000x64xf32>
    %get3A_2 = arith.constant 0 : index
    %get3A_3 = arith.constant 0 : index
    %get3A_4 = vector.load %arg2[%get3A_2, %get3A_3] : memref<5000x64xf32, #tpu.memory_space<vmem>>, vector<5000x64xf32>
    %concatenate3A = tpu.concatenate %get3A_1, %get3A_4 in 1 : vector<5000x64xf32>, vector<5000x64xf32> -> vector<5000x128xf32>
    %swap3A = arith.constant 0 : index
    %swap3A_5 = arith.constant 0 : index
    %swap3A_6 = vector.load %arg3[%swap3A, %swap3A_5] : memref<5000x128xf32, #tpu.memory_space<vmem>>, vector<5000x128xf32>
    tpu.vector_store %arg3[%swap3A, %swap3A_5], %concatenate3A {strides = array<i32>} : memref<5000x128xf32, #tpu.memory_space<vmem>>, vector<5000x128xf32>,
    return
  }
  func.func @transform_0(%arg0: i32) -> (i32, i32) {
    %c0_i32 = arith.constant 0 : i32
    %c0_i32_0 = arith.constant 0 : i32
    return %arg0, %c0_i32 : i32, i32
  }
  func.func @transform_1(%arg0: i32) -> (i32, i32) {
    %add3A = arith.constant 100 : i32
    %add3A_0 = arith.addi %arg0, %add3A : i32
    %c0_i32 = arith.constant 0 : i32
    %c0_i32_1 = arith.constant 0 : i32
    return %add3A_0, %c0_i32 : i32, i32
  }
  func.func @transform_2(%arg0: i32) -> (i32, i32) {
    %c0_i32 = arith.constant 0 : i32
    %c0_i32_0 = arith.constant 0 : i32
    return %arg0, %c0_i32 : i32, i32
  }
}

module attributes {stable_mosaic.version = 14 : i64} {
  func.func @_repack_body(%arg0: i32, %arg1: memref<5000x64xf32, #tpu.memory_space<vmem>>, %arg2: memref<5000x64xf32, #tpu.memory_space<vmem>>, %arg3: memref<5000x128xf32, #tpu.memory_space<vmem>>) attributes {dimension_semantics = [#tpu.dimension_semantics<arbitrary>], iteration_bounds = array<i64: 10>, scalar_prefetch = 0 : i64, scratch_operands = 0 : i64, tpu.core_type = #tpu.core_type<tc>, window_params = [{transform_indices = @transform_0, window_bounds = array<i64: 5000, 64>}, {transform_indices = @transform_1, window_bounds = array<i64: 5000, 64>}, {transform_indices = @transform_2, window_bounds = array<i64: 5000, 128>}]} {
    %get3A = arith.constant 0 : index
    %get3A_0 = arith.constant 0 : index
    %get3A_1 = vector.load %arg1[%get3A, %get3A_0] : memref<5000x64xf32, #tpu.memory_space<vmem>>, vector<5000x64xf32>
    %get3A_2 = arith.constant 0 : index
    %get3A_3 = arith.constant 0 : index
    %get3A_4 = vector.load %arg2[%get3A_2, %get3A_3] : memref<5000x64xf32, #tpu.memory_space<vmem>>, vector<5000x64xf32>
    %concatenate3A = tpu.concatenate %get3A_1, %get3A_4 in 1 : vector<5000x64xf32>, vector<5000x64xf32> -> vector<5000x128xf32>
    %swap3A = arith.constant 0 : index
    %swap3A_5 = arith.constant 0 : index
    %swap3A_6 = vector.load %arg3[%swap3A, %swap3A_5] : memref<5000x128xf32, #tpu.memory_space<vmem>>, vector<5000x128xf32>
    tpu.vector_store %arg3[%swap3A, %swap3A_5], %concatenate3A {strides = array<i32>} : memref<5000x128xf32, #tpu.memory_space<vmem>>, vector<5000x128xf32>,
    return
  }
  func.func @transform_0(%arg0: i32) -> (i32, i32) {
    %c0_i32 = arith.constant 0 : i32
    %c0_i32_0 = arith.constant 0 : i32
    return %arg0, %c0_i32 : i32, i32
  }
  func.func @transform_1(%arg0: i32) -> (i32, i32) {
    %add3A = arith.constant 10 : i32
    %add3A_0 = arith.addi %arg0, %add3A : i32
    %c0_i32 = arith.constant 0 : i32
    %c0_i32_1 = arith.constant 0 : i32
    return %add3A_0, %c0_i32 : i32, i32
  }
  func.func @transform_2(%arg0: i32) -> (i32, i32) {
    %c0_i32 = arith.constant 0 : i32
    %c0_i32_0 = arith.constant 0 : i32
    return %arg0, %c0_i32 : i32, i32
  }
}

module attributes {stable_mosaic.version = 14 : i64} {
  func.func @_mlp_body(%arg0: i32, %arg1: memref<2048x128xf32, #tpu.memory_space<vmem>>, %arg2: memref<2048x128xf32, #tpu.memory_space<vmem>>, %arg3: memref<2048x16xf32, #tpu.memory_space<vmem>>, %arg4: memref<11x32xf32, #tpu.memory_space<vmem>>, %arg5: memref<1x32xf32, #tpu.memory_space<vmem>>, %arg6: memref<3x32xf32, #tpu.memory_space<vmem>>, %arg7: memref<1x32xf32, #tpu.memory_space<vmem>>, %arg8: memref<64x32xf32, #tpu.memory_space<vmem>>, %arg9: memref<32x32xf32, #tpu.memory_space<vmem>>, %arg10: memref<32x32xf32, #tpu.memory_space<vmem>>, %arg11: memref<1x32xf32, #tpu.memory_space<vmem>>, %arg12: memref<32x1xf32, #tpu.memory_space<vmem>>, %arg13: memref<1x1xf32, #tpu.memory_space<vmem>>, %arg14: memref<2048x1xf32, #tpu.memory_space<vmem>>) attributes {dimension_semantics = [#tpu.dimension_semantics<arbitrary>], iteration_bounds = array<i64: 8>, scalar_prefetch = 0 : i64, scratch_operands = 0 : i64, tpu.core_type = #tpu.core_type<tc>, window_params = [{transform_indices = @transform_0, window_bounds = array<i64: 2048, 128>}, {transform_indices = @transform_1, window_bounds = array<i64: 2048, 128>}, {transform_indices = @transform_2, window_bounds = array<i64: 2048, 16>}, {pipeline_mode = #tpu.pipeline_mode<synchronous>, transform_indices = @transform_3, window_bounds = array<i64: 11, 32>}, {pipeline_mode = #tpu.pipeline_mode<synchronous>, transform_indices = @transform_4, window_bounds = array<i64: 1, 32>}, {pipeline_mode = #tpu.pipeline_mode<synchronous>, transform_indices = @transform_5, window_bounds = array<i64: 3, 32>}, {pipeline_mode = #tpu.pipeline_mode<synchronous>, transform_indices = @transform_6, window_bounds = array<i64: 1, 32>}, {pipeline_mode = #tpu.pipeline_mode<synchronous>, transform_indices = @transform_7, window_bounds = array<i64: 64, 32>}, {pipeline_mode = #tpu.pipeline_mode<synchronous>, transform_indices = @transform_8, window_bounds = array<i64: 32, 32>}, {pipeline_mode = #tpu.pipeline_mode<synchronous>, transform_indices = @transform_9, window_bounds = array<i64: 32, 32>}, {pipeline_mode = #tpu.pipeline_mode<synchronous>, transform_indices = @transform_10, window_bounds = array<i64: 1, 32>}, {pipeline_mode = #tpu.pipeline_mode<synchronous>, transform_indices = @transform_11, window_bounds = array<i64: 32, 1>}, {pipeline_mode = #tpu.pipeline_mode<synchronous>, transform_indices = @transform_12, window_bounds = array<i64: 1, 1>}, {transform_indices = @transform_13, window_bounds = array<i64: 2048, 1>}]} {
    %get3A = arith.constant 0 : index
    %get3A_0 = arith.constant 0 : index
    %get3A_1 = vector.load %arg3[%get3A, %get3A_0] : memref<2048x16xf32, #tpu.memory_space<vmem>>, vector<2048x16xf32>
    %get3A_2 = arith.constant 0 : index
    %get3A_3 = arith.constant 0 : index
    %get3A_4 = vector.load %arg1[%get3A_2, %get3A_3] : memref<2048x128xf32, #tpu.memory_space<vmem>>, vector<2048x128xf32>
    %get3A_5 = arith.constant 0 : index
    %get3A_6 = arith.constant 0 : index
    %get3A_7 = vector.load %arg2[%get3A_5, %get3A_6] : memref<2048x128xf32, #tpu.memory_space<vmem>>, vector<2048x128xf32>
    %slice3A = vector.extract_strided_slice %get3A_1 {offsets = [0, 0], sizes = [2048, 1], strides = [1, 1]} : vector<2048x16xf32> to vector<2048x1xf32>
    %gt3A = arith.constant 0.000000e+00 : f32
    %gt3A_8 = vector.broadcast %gt3A : f32 to vector<2048x1xf32>
    %gt3A_9 = arith.cmpf ogt, %slice3A, %gt3A_8 : vector<2048x1xf32>
    %slice3A_10 = vector.extract_strided_slice %get3A_4 {offsets = [0, 64], sizes = [2048, 64], strides = [1, 1]} : vector<2048x128xf32> to vector<2048x64xf32>
    %slice3A_11 = vector.extract_strided_slice %get3A_4 {offsets = [0, 0], sizes = [2048, 64], strides = [1, 1]} : vector<2048x128xf32> to vector<2048x64xf32>
    %broadcast_in_dim3A = vector.shape_cast %gt3A_9 : vector<2048x1xi1> to vector<2048x1xi1>
    %broadcast_in_dim3A_12 = vector.broadcast %broadcast_in_dim3A : vector<2048x1xi1> to vector<2048x64xi1>
    %select_n3A = arith.select %broadcast_in_dim3A_12, %slice3A_10, %slice3A_11 : vector<2048x64xi1>, vector<2048x64xf32>
    %slice3A_13 = vector.extract_strided_slice %get3A_1 {offsets = [0, 1], sizes = [2048, 1], strides = [1, 1]} : vector<2048x16xf32> to vector<2048x1xf32>
    %gt3A_14 = arith.constant 0.000000e+00 : f32
    %gt3A_15 = vector.broadcast %gt3A_14 : f32 to vector<2048x1xf32>
    %gt3A_16 = arith.cmpf ogt, %slice3A_13, %gt3A_15 : vector<2048x1xf32>
    %slice3A_17 = vector.extract_strided_slice %get3A_7 {offsets = [0, 64], sizes = [2048, 64], strides = [1, 1]} : vector<2048x128xf32> to vector<2048x64xf32>
    %slice3A_18 = vector.extract_strided_slice %get3A_7 {offsets = [0, 0], sizes = [2048, 64], strides = [1, 1]} : vector<2048x128xf32> to vector<2048x64xf32>
    %broadcast_in_dim3A_19 = vector.shape_cast %gt3A_16 : vector<2048x1xi1> to vector<2048x1xi1>
    %broadcast_in_dim3A_20 = vector.broadcast %broadcast_in_dim3A_19 : vector<2048x1xi1> to vector<2048x64xi1>
    %select_n3A_21 = arith.select %broadcast_in_dim3A_20, %slice3A_17, %slice3A_18 : vector<2048x64xi1>, vector<2048x64xf32>
    %mul3A = arith.mulf %select_n3A, %select_n3A_21 : vector<2048x64xf32>
    %slice3A_22 = vector.extract_strided_slice %get3A_1 {offsets = [0, 2], sizes = [2048, 11], strides = [1, 1]} : vector<2048x16xf32> to vector<2048x11xf32>
    %slice3A_23 = vector.extract_strided_slice %get3A_1 {offsets = [0, 13], sizes = [2048, 3], strides = [1, 1]} : vector<2048x16xf32> to vector<2048x3xf32>
    %get3A_24 = arith.constant 0 : index
    %get3A_25 = arith.constant 0 : index
    %get3A_26 = vector.load %arg4[%get3A_24, %get3A_25] : memref<11x32xf32, #tpu.memory_space<vmem>>, vector<11x32xf32>
    %dot_general3A = arith.constant dense<0.000000e+00> : vector<2048x32xf32>
    %dot_general3A_27 = tpu.matmul %slice3A_22, %get3A_26, %dot_general3A {dimension_numbers = #tpu.dot_dimension_numbers<[1], [0], [0], [1], [0, 0, 1, 1], [], []>, transpose_lhs_hint = false} : vector<2048x11xf32>, vector<11x32xf32>, vector<2048x32xf32> -> vector<2048x32xf32>
    %get3A_28 = arith.constant 0 : index
    %get3A_29 = arith.constant 0 : index
    %get3A_30 = vector.load %arg5[%get3A_28, %get3A_29] : memref<1x32xf32, #tpu.memory_space<vmem>>, vector<1x32xf32>
    %add3A = vector.broadcast %get3A_30 : vector<1x32xf32> to vector<2048x32xf32>
    %add3A_31 = arith.addf %dot_general3A_27, %add3A : vector<2048x32xf32>
    %max3A = arith.constant 0.000000e+00 : f32
    %max3A_32 = vector.broadcast %max3A : f32 to vector<2048x32xf32>
    %max3A_33 = arith.maximumf %add3A_31, %max3A_32 : vector<2048x32xf32>
    %get3A_34 = arith.constant 0 : index
    %get3A_35 = arith.constant 0 : index
    %get3A_36 = vector.load %arg6[%get3A_34, %get3A_35] : memref<3x32xf32, #tpu.memory_space<vmem>>, vector<3x32xf32>
    %dot_general3A_37 = arith.constant dense<0.000000e+00> : vector<2048x32xf32>
    %dot_general3A_38 = tpu.matmul %slice3A_23, %get3A_36, %dot_general3A_37 {dimension_numbers = #tpu.dot_dimension_numbers<[1], [0], [0], [1], [0, 0, 1, 1], [], []>, transpose_lhs_hint = false} : vector<2048x3xf32>, vector<3x32xf32>, vector<2048x32xf32> -> vector<2048x32xf32>
    %get3A_39 = arith.constant 0 : index
    %get3A_40 = arith.constant 0 : index
    %get3A_41 = vector.load %arg7[%get3A_39, %get3A_40] : memref<1x32xf32, #tpu.memory_space<vmem>>, vector<1x32xf32>
    %add3A_42 = vector.broadcast %get3A_41 : vector<1x32xf32> to vector<2048x32xf32>
    %add3A_43 = arith.addf %dot_general3A_38, %add3A_42 : vector<2048x32xf32>
    %max3A_44 = arith.constant 0.000000e+00 : f32
    %max3A_45 = vector.broadcast %max3A_44 : f32 to vector<2048x32xf32>
    %max3A_46 = arith.maximumf %add3A_43, %max3A_45 : vector<2048x32xf32>
    %get3A_47 = arith.constant 0 : index
    %get3A_48 = arith.constant 0 : index
    %get3A_49 = vector.load %arg8[%get3A_47, %get3A_48] : memref<64x32xf32, #tpu.memory_space<vmem>>, vector<64x32xf32>
    %dot_general3A_50 = arith.constant dense<0.000000e+00> : vector<2048x32xf32>
    %dot_general3A_51 = tpu.matmul %mul3A, %get3A_49, %dot_general3A_50 {dimension_numbers = #tpu.dot_dimension_numbers<[1], [0], [0], [1], [0, 0, 1, 1], [], []>, transpose_lhs_hint = false} : vector<2048x64xf32>, vector<64x32xf32>, vector<2048x32xf32> -> vector<2048x32xf32>
    %get3A_52 = arith.constant 0 : index
    %get3A_53 = arith.constant 0 : index
    %get3A_54 = vector.load %arg9[%get3A_52, %get3A_53] : memref<32x32xf32, #tpu.memory_space<vmem>>, vector<32x32xf32>
    %dot_general3A_55 = arith.constant dense<0.000000e+00> : vector<2048x32xf32>
    %dot_general3A_56 = tpu.matmul %max3A_33, %get3A_54, %dot_general3A_55 {dimension_numbers = #tpu.dot_dimension_numbers<[1], [0], [0], [1], [0, 0, 1, 1], [], []>, transpose_lhs_hint = false} : vector<2048x32xf32>, vector<32x32xf32>, vector<2048x32xf32> -> vector<2048x32xf32>
    %add3A_57 = arith.addf %dot_general3A_51, %dot_general3A_56 : vector<2048x32xf32>
    %get3A_58 = arith.constant 0 : index
    %get3A_59 = arith.constant 0 : index
    %get3A_60 = vector.load %arg10[%get3A_58, %get3A_59] : memref<32x32xf32, #tpu.memory_space<vmem>>, vector<32x32xf32>
    %dot_general3A_61 = arith.constant dense<0.000000e+00> : vector<2048x32xf32>
    %dot_general3A_62 = tpu.matmul %max3A_46, %get3A_60, %dot_general3A_61 {dimension_numbers = #tpu.dot_dimension_numbers<[1], [0], [0], [1], [0, 0, 1, 1], [], []>, transpose_lhs_hint = false} : vector<2048x32xf32>, vector<32x32xf32>, vector<2048x32xf32> -> vector<2048x32xf32>
    %add3A_63 = arith.addf %add3A_57, %dot_general3A_62 : vector<2048x32xf32>
    %get3A_64 = arith.constant 0 : index
    %get3A_65 = arith.constant 0 : index
    %get3A_66 = vector.load %arg11[%get3A_64, %get3A_65] : memref<1x32xf32, #tpu.memory_space<vmem>>, vector<1x32xf32>
    %add3A_67 = vector.broadcast %get3A_66 : vector<1x32xf32> to vector<2048x32xf32>
    %add3A_68 = arith.addf %add3A_63, %add3A_67 : vector<2048x32xf32>
    %max3A_69 = arith.constant 0.000000e+00 : f32
    %max3A_70 = vector.broadcast %max3A_69 : f32 to vector<2048x32xf32>
    %max3A_71 = arith.maximumf %add3A_68, %max3A_70 : vector<2048x32xf32>
    %get3A_72 = arith.constant 0 : index
    %get3A_73 = arith.constant 0 : index
    %get3A_74 = vector.load %arg12[%get3A_72, %get3A_73] : memref<32x1xf32, #tpu.memory_space<vmem>>, vector<32x1xf32>
    %dot_general3A_75 = arith.constant dense<0.000000e+00> : vector<2048x1xf32>
    %dot_general3A_76 = tpu.matmul %max3A_71, %get3A_74, %dot_general3A_75 {dimension_numbers = #tpu.dot_dimension_numbers<[1], [0], [0], [1], [0, 0, 1, 1], [], []>, transpose_lhs_hint = false} : vector<2048x32xf32>, vector<32x1xf32>, vector<2048x1xf32> -> vector<2048x1xf32>
    %get3A_77 = arith.constant 0 : index
    %get3A_78 = arith.constant 0 : index
    %get3A_79 = vector.load %arg13[%get3A_77, %get3A_78] : memref<1x1xf32, #tpu.memory_space<vmem>>, vector<1x1xf32>
    %add3A_80 = vector.broadcast %get3A_79 : vector<1x1xf32> to vector<2048x1xf32>
    %add3A_81 = arith.addf %dot_general3A_76, %add3A_80 : vector<2048x1xf32>
    %logistic3A = arith.negf %add3A_81 : vector<2048x1xf32>
    %logistic3A_82 = math.exp %logistic3A : vector<2048x1xf32>
    %logistic3A_83 = arith.constant 1.000000e+00 : f32
    %logistic3A_84 = vector.broadcast %logistic3A_83 : f32 to vector<2048x1xf32>
    %logistic3A_85 = arith.addf %logistic3A_84, %logistic3A_82 : vector<2048x1xf32>
    %logistic3A_86 = arith.divf %logistic3A_84, %logistic3A_85 : vector<2048x1xf32>
    %swap3A = arith.constant 0 : index
    %swap3A_87 = arith.constant 0 : index
    %swap3A_88 = vector.load %arg14[%swap3A, %swap3A_87] : memref<2048x1xf32, #tpu.memory_space<vmem>>, vector<2048x1xf32>
    tpu.vector_store %arg14[%swap3A, %swap3A_87], %logistic3A_86 {strides = array<i32>} : memref<2048x1xf32, #tpu.memory_space<vmem>>, vector<2048x1xf32>,
    return
  }
  func.func @transform_0(%arg0: i32) -> (i32, i32) {
    %c0_i32 = arith.constant 0 : i32
    %c0_i32_0 = arith.constant 0 : i32
    return %arg0, %c0_i32 : i32, i32
  }
  func.func @transform_1(%arg0: i32) -> (i32, i32) {
    %c0_i32 = arith.constant 0 : i32
    %c0_i32_0 = arith.constant 0 : i32
    return %arg0, %c0_i32 : i32, i32
  }
  func.func @transform_2(%arg0: i32) -> (i32, i32) {
    %c0_i32 = arith.constant 0 : i32
    %c0_i32_0 = arith.constant 0 : i32
    return %arg0, %c0_i32 : i32, i32
  }
  func.func @transform_3(%arg0: i32) -> (i32, i32) {
    %c0_i32 = arith.constant 0 : i32
    %c0_i32_0 = arith.constant 0 : i32
    %c0_i32_1 = arith.constant 0 : i32
    return %c0_i32, %c0_i32_0 : i32, i32
  }
  func.func @transform_4(%arg0: i32) -> (i32, i32) {
    %c0_i32 = arith.constant 0 : i32
    %c0_i32_0 = arith.constant 0 : i32
    %c0_i32_1 = arith.constant 0 : i32
    return %c0_i32, %c0_i32_0 : i32, i32
  }
  func.func @transform_5(%arg0: i32) -> (i32, i32) {
    %c0_i32 = arith.constant 0 : i32
    %c0_i32_0 = arith.constant 0 : i32
    %c0_i32_1 = arith.constant 0 : i32
    return %c0_i32, %c0_i32_0 : i32, i32
  }
  func.func @transform_6(%arg0: i32) -> (i32, i32) {
    %c0_i32 = arith.constant 0 : i32
    %c0_i32_0 = arith.constant 0 : i32
    %c0_i32_1 = arith.constant 0 : i32
    return %c0_i32, %c0_i32_0 : i32, i32
  }
  func.func @transform_7(%arg0: i32) -> (i32, i32) {
    %c0_i32 = arith.constant 0 : i32
    %c0_i32_0 = arith.constant 0 : i32
    %c0_i32_1 = arith.constant 0 : i32
    return %c0_i32, %c0_i32_0 : i32, i32
  }
  func.func @transform_8(%arg0: i32) -> (i32, i32) {
    %c0_i32 = arith.constant 0 : i32
    %c0_i32_0 = arith.constant 0 : i32
    %c0_i32_1 = arith.constant 0 : i32
    return %c0_i32, %c0_i32_0 : i32, i32
  }
  func.func @transform_9(%arg0: i32) -> (i32, i32) {
    %c0_i32 = arith.constant 0 : i32
    %c0_i32_0 = arith.constant 0 : i32
    %c0_i32_1 = arith.constant 0 : i32
    return %c0_i32, %c0_i32_0 : i32, i32
  }
  func.func @transform_10(%arg0: i32) -> (i32, i32) {
    %c0_i32 = arith.constant 0 : i32
    %c0_i32_0 = arith.constant 0 : i32
    %c0_i32_1 = arith.constant 0 : i32
    return %c0_i32, %c0_i32_0 : i32, i32
  }
  func.func @transform_11(%arg0: i32) -> (i32, i32) {
    %c0_i32 = arith.constant 0 : i32
    %c0_i32_0 = arith.constant 0 : i32
    %c0_i32_1 = arith.constant 0 : i32
    return %c0_i32, %c0_i32_0 : i32, i32
  }
  func.func @transform_12(%arg0: i32) -> (i32, i32) {
    %c0_i32 = arith.constant 0 : i32
    %c0_i32_0 = arith.constant 0 : i32
    %c0_i32_1 = arith.constant 0 : i32
    return %c0_i32, %c0_i32_0 : i32, i32
  }
  func.func @transform_13(%arg0: i32) -> (i32, i32) {
    %c0_i32 = arith.constant 0 : i32
    %c0_i32_0 = arith.constant 0 : i32
    return %arg0, %c0_i32 : i32, i32
  }
}

</mosaic_0001>

<sc_bundles>
// kernel: _run.10.cloned.1.call-start
scs
__scs_entry_jumppad:
0x0: {  	(pc) =	sbr.rel $0x88, $3  }
0x1: {  	(tag) =	ssettag $0x0;
	lr =	simm.s32 $0x1  }
0x2: {  	[smem:$0x3F93] =	sst lr;
	_ =	strace $0xD0000000  }
0x3: {  	_ = 	snop  }
0x4: {  	_ = 	snop  }
0x5: {  	_ = 	snop  }
0x6: {  	_ = 	snop  }
0x7: {  	_ = 	snop  }
__scs_overlays_trampoline_lowered:
0x8: {  	[smem:$0x3FA2] =	sst s0  }
0x9: {  	[smem:$0x3FA3] =	sst s1  }
0xa: {  	[smem:$0x3FA4] =	sst s2  }
0xb: {  	[smem:$0x3FA5] =	sst s3  }
0xc: {  	[smem:$0x3FA6] =	sst s4  }
0xd: {  	[smem:$0x3FA7] =	sst s5  }
0xe: {  	[smem:$0x3FA8] =	sst s6  }
0xf: {  	[smem:$0x3FA9] =	sst s7  }
0x10: {  	[smem:$0x3FAA] =	sst s8  }
0x11: {  	[smem:$0x3FAB] =	sst s9;
	s0 =	simm.s32 @!p0 $0x0  }
0x12: {  	s1 =	sld [smem:$0x3F91];
	s0 =	simm.s32 @p0 $0x1  }
0x13: {  	[smem:$0x3FAC] =	sst s0;
	s0 =	simm.s32 @!p1 $0x0  }
0x14: {  	s2 =	sld [smem:$0x3F90];
	s0 =	simm.s32 @p1 $0x1  }
0x15: {  	[smem:$0x3FAD] =	sst s0;
	s0 =	simm.s32 @!p2 $0x0  }
0x16: {  	s3 =	sld [smem:$0x3FDB];
	s0 =	simm.s32 @p2 $0x1  }
0x17: {  	s4 =	simm.s32 $0x1BF5;
	[smem:$0x3FAF] =	sst s0  }
0x18: {  	s0 =	sld [smem:$0x3F92];
	_ =	swait.ge [sflag:s4], $0x0  }
0x19: {  	s7 =	sld [smem:$0x3F93]  }
0x1a: {  	s8 =	sadd.s32 $0xFFFFE003, lr  }
0x1b: {  	s9 =	sadd.s32 $0xFFFFFEF7, lr;
	s5 =	simm.s32 $0xFFFFFFFF;
	p2 =	slt.u32 s8, $0xFFFFF086  }
0x1c: {  	p1 =	slt.u32 s9, $0xF7A;
	s5 =	simm.s32 @!p2 $0x0  }
0x1d: {  	s5 =	simm.s32 @p1 $0x1;
	p0 =	seq.s32 s7, s2  }
0x1e: {  	s7 =	smul.u32 @!p0 $0xF7A, s2;
	p2 =	seq.s32 @!p0 s5, $0x0  }
0x1f: {  	s9 =	smul.u32 $0xF7A, s1;
	s8 =	simm.s32 @!p0 $0x1BF5;
	p2 =	por !p2, p0  }
0x20: {  	[sflag:s8] =	ssyncset.s32 @!p0 $0xFFFFF086;
	s6 =	sadd.s32 @!p0 s3, s7;
	s7 =	simm.s32 @!p0 $0x108  }
0x21: {  	s3 =	sadd.s32 s3, s9;
	s6 =	sadd.s32 @!p0 $0x88, s6;
	s7 =	simm.s32 @p2 $0x1082  }
0x22: {  	[simem:s7], [sflag:s8] =	dma.local @!p0 [hbm:s6], $0xF7A  }
0x23: {  	s9 =	sor.u32 $0xD0000000, s2;
	s6 =	simm.s32 $0x108;
	_ =	swait.ge @!p0 [sflag:s8], $0x0  }
0x24: {  	s3 =	sadd.s32 $0x88, s3;
	s6 =	simm.s32 @!p1 $0x1082;
	[sflag:s4] =	ssyncset.s32 $0xFFFFF086  }
0x25: {  	[simem:s6], [sflag:s4] =	dma.local [hbm:s3], $0xF7A  }
0x26: {  	[smem:$0x3F93] =	sst s1;
	(tag) =	ssettag s2;
	_ =	strace s9  }
0x27: {  	s1 =	sld [smem:$0x3FA3]  }
0x28: {  	s2 =	sld [smem:$0x3FA4]  }
0x29: {  	s4 =	sld [smem:$0x3FA6]  }
0x2a: {  	p0 =	seq.s32 s5, $0x0;
	s5 =	sld [smem:$0x3FA7]  }
0x2b: {  	s6 =	sld [smem:$0x3FA8]  }
0x2c: {  	s7 =	sld [smem:$0x3FA9]  }
0x2d: {  	s3 =	simm.s32 $0x108;
	s8 =	sld [smem:$0x3FAA]  }
0x2e: {  	s3 =	simm.s32 @!p0 $0x1082;
	s9 =	sld [smem:$0x3FAB]  }
0x2f: {  	lr =	sadd.s32 s0, s3;
	s0 =	sld [smem:$0x3FA2]  }
0x30: {  	s3 =	sld [smem:$0x3FA5]  }
0x31: {  	[smem:$0x3FAE] =	sst s10  }
0x32: {  	s10 =	sld [smem:$0x3FAC];
	_ =	sdelay $0x3  }
0x33: {  	p0 =	seq.s32 s10, $0x1;
	s10 =	sld [smem:$0x3FAE];
	_ =	sdelay $0x3  }
0x34: {  	[smem:$0x3FAE] =	sst s10  }
0x35: {  	s10 =	sld [smem:$0x3FAD];
	_ =	sdelay $0x3  }
0x36: {  	p1 =	seq.s32 s10, $0x1;
	s10 =	sld [smem:$0x3FAE];
	_ =	sdelay $0x3  }
0x37: {  	[smem:$0x3FAE] =	sst s10  }
0x38: {  	s10 =	sld [smem:$0x3FAF]  }
0x39: {  	_ = 	snop;
	(pc) =	sbr.ind lr, $3  }
0x3a: {  	_ = 	snop  }
0x3b: {  	_ = 	snop  }
0x3c: {  	p2 =	seq.s32 s10, $0x1;
	s10 =	sld [smem:$0x3FAE]  }
0x3d: {  	_ =	shalt  }
0x3e: {  	_ =	shalt  }
0x3f: {  	_ =	shalt  }
0x40: {  	_ =	shalt  }
0x41: {  	_ =	shalt  }
0x42: {  	_ =	shalt  }
0x43: {  	_ =	shalt  }
0x44: {  	_ =	shalt  }
0x45: {  	_ =	shalt  }
0x46: {  	_ =	shalt  }
0x47: {  	_ =	shalt  }
0x48: {  	_ =	shalt  }
0x49: {  	_ =	shalt  }
0x4a: {  	_ =	shalt  }
0x4b: {  	_ =	shalt  }
0x4c: {  	_ =	shalt  }
0x4d: {  	_ =	shalt  }
0x4e: {  	_ =	shalt  }
0x4f: {  	_ =	shalt  }
0x50: {  	_ =	shalt  }
0x51: {  	_ =	shalt  }
0x52: {  	_ =	shalt  }
0x53: {  	_ =	shalt  }
0x54: {  	_ =	shalt  }
0x55: {  	_ =	shalt  }
0x56: {  	_ =	shalt  }
0x57: {  	_ =	shalt  }
0x58: {  	_ =	shalt  }
0x59: {  	_ =	shalt  }
0x5a: {  	_ =	shalt  }
0x5b: {  	_ =	shalt  }
0x5c: {  	_ =	shalt  }
0x5d: {  	_ =	shalt  }
0x5e: {  	_ =	shalt  }
0x5f: {  	_ =	shalt  }
0x60: {  	_ =	shalt  }
0x61: {  	_ =	shalt  }
0x62: {  	_ =	shalt  }
0x63: {  	_ =	shalt  }
0x64: {  	_ =	shalt  }
0x65: {  	_ =	shalt  }
0x66: {  	_ =	shalt  }
0x67: {  	_ =	shalt  }
0x68: {  	_ =	shalt  }
0x69: {  	_ =	shalt  }
0x6a: {  	_ =	shalt  }
0x6b: {  	_ =	shalt  }
0x6c: {  	_ =	shalt  }
0x6d: {  	_ =	shalt  }
0x6e: {  	_ =	shalt  }
0x6f: {  	_ =	shalt  }
0x70: {  	_ =	shalt  }
0x71: {  	_ =	shalt  }
0x72: {  	_ =	shalt  }
0x73: {  	_ =	shalt  }
0x74: {  	_ =	shalt  }
0x75: {  	_ =	shalt  }
0x76: {  	_ =	shalt  }
0x77: {  	_ =	shalt  }
0x78: {  	_ =	shalt  }
0x79: {  	_ =	shalt  }
0x7a: {  	_ =	shalt  }
0x7b: {  	_ =	shalt  }
0x7c: {  	_ =	shalt  }
0x7d: {  	_ =	shalt  }
0x7e: {  	_ =	shalt  }
0x7f: {  	_ =	shalt  }
0x80: {  	_ =	shalt  }
0x81: {  	_ =	shalt  }
0x82: {  	_ =	shalt  }
0x83: {  	_ =	shalt  }
0x84: {  	_ =	shalt  }
0x85: {  	_ =	shalt  }
0x86: {  	_ =	shalt  }
0x87: {  	_ =	shalt  }
.Lfunc_end0:
.L_simem_size_0:
called_computation.1_lowered:
.L_overlay_start_0:
0x88: {  	s2 =	sld [smem:$0x3FD9]  }
0x89: {  	s3 =	sld [smem:$0x3FFE];
	_ =	sdelay $0x1  }
0x8a: {  	s1 =	srdreg.scid  }
0x8b: {  	s0 =	sand.u32 $0x1, s1  }
0x8c: {  	s17 =	sshll.u32 s0, $0xA;
	s2 =	sadd.s32 s3, s2  }
0x8d: {  	s2 =	sadd.s32 s2, s17  }
0x8e: {  	[smem:$0x3FBA] =	sst s2  }
0x8f: {  	_ = 	snop  }
0x90: {  	s2 =	sld [smem:$0x3FD0];
	(tm) =	ssettm $0x1  }
0x91: {  	s18 =	sld [smem:$0x3FFB];
	_ =	sdelay $0x3  }
0x92: {  	_ =	strace s18  }
0x93: {  	s3 =	sld [smem:$0x3FFC];
	_ =	sdelay $0x3  }
0x94: {  	_ =	strace s3  }
0x95: {  	s3 =	sld [smem:$0x3FFD];
	_ =	sdelay $0x3  }
0x96: {  	_ =	strace s3  }
0x97: {  	_ =	strace $0x8FFFFFFF  }
0x98: {  	s19 =	sld [smem:$0x3FDB];
	_ =	sdelay $0x1  }
0x99: {  	s4 =	simm.s32 $_scs_section_size  }
0x9a: {  	s5 =	simm.s32 $_size__tile_overlayer_lowered;
	s6 =	simm.s32 $_tile_overlayer_lowered  }
0x9b: {  	s22 =	simm.s32 $0x1BFF;
	s21 =	sshll.u32 s6, $0x1;
	s3 =	sadd.s32 s4, s19  }
0x9c: {  	s7 =	simm.s32 $0x0;
	s20 =	sshll.u32 s5, $0x1;
	s5 =	sadd.s32 s21, s3  }
0x9d: {  	[timem:s7], [sflag:s22] =	dma.local [hbm:s5], s20  }
0x9e: {  	_ =	swait.ge [sflag:s22], s20  }
0x9f: {  	s4 =	ssub.s32 $0x0, s20;
	[sflag:s22] =	ssyncset.done $0x0  }
0xa0: {  	[sflag:s22] =	ssyncadd.s32 s4;
	_ =	sdelay $0x1  }
0xa1: {  	s23 =	simm.s32 $0x1B8B  }
0xa2: {  	_ =	swait.ge [sflag:s23], $0x1  }
0xa3: {  	[sflag:s23] =	ssyncset.done $0x0  }
0xa4: {  	s25 =	simm.s32 $0x1B8E;
	s24 =	sld [smem:$0x3FFE];
	[sflag:s23] =	ssyncadd.s32 $0xFFFFFFFF  }
0xa5: {  	s26 =	simm.s32 $execute0_lowered;
	[smem:$0x3FD2] =	sst s25  }
0xa6: {  	s5 =	sshll.u32 s26, $0x1;
	_ =	strace $0x80000046;
	[dreg:$0x1] =	wrdreg $0xFFFFFFFF  }
0xa7: {  	s28 =	simm.s32 $_size_execute0_lowered;
	s3 =	sadd.s32 s3, s5;
	[dreg:$0x0] =	wrdreg $0x0  }
0xa8: {  	s5 =	sshll.u32 s28, $0x1;
	[dreg:$0x2] =	wrdreg s3  }
0xa9: {  	[dreg:$0x3] =	wrdreg s5  }
0xaa: {  	[dreg:$0x4] =	wrdreg $0xC0  }
0xab: {  	_ =	task [dreg:s7], $0x5FFFF  }
0xac: {  	[dreg:$0x1] =	wrdreg $0xFFFFFFFF  }
0xad: {  	[dreg:$0x0] =	wrdreg $0x60  }
0xae: {  	[dreg:$0x2] =	wrdreg s24  }
0xaf: {  	[dreg:$0x3] =	wrdreg s2  }
0xb0: {  	[dreg:$0x4] =	wrdreg $0xA  }
0xb1: {  	_ =	task.clear_ibuf [dreg:s7], $0x5FFFF;
	_ =	strace $0x90000046  }
0xb2: {  	s29 =	simm.s32 $0xA;
	_ =	strace $0x80000048  }
0xb3: {  	_ =	swait.ge [sflag:s29], $0x1  }
0xb4: {  	[sflag:s29] =	ssyncadd.s32 $0xFFFFFFFF  }
0xb5: {  	_ =	strace $0x90000048  }
0xb6: {  	_ =	sfence  }
0xb7: {  	s30 =	sld [smem:$0x0];
	_ =	sdelay $0x2  }
0xb8: {  	s31 =	sshll.u32 s1, $0xD;
	s1 =	sshrl.u32 s1, $0x2  }
0xb9: {  	s3 =	sand.u32 $0x4000, s31;
	s1 =	sadd.s32 s1, s30  }
0xba: {  	s0 =	sor.u32 s3, s0;
	s1 =	sshll.u32 s1, $0x11  }
0xbb: {  	s0 =	sor.u32 s1, s0  }
0xbc: {  	s0 =	sadd.s32 $0x8F2B, s0  }
0xbd: {  	[sflag:s0] =	ssyncadd.remote.s32 $0x1  }
0xbe: {  	_ =	sfence.sel $0xFFFF  }
0xbf: {  	[dreg:$0x0] =	wrdreg $0xFFFFFFFF;
	(pc) =	sbr.abs _section_cstart, $3  }
0xc0: {  	[dreg:$0x1] =	wrdreg $0xFFFFFFFF  }
0xc1: {  	_ =	task.clear_ibuf [dreg:s7], $0x2FFFF;
	_ =	strace $0x9FFFFFFF  }
0xc2: {  	(tm) =	ssettm $0x7FFFFFFF  }
0xc3: {  	_ =	shalt  }
tec
execute0_lowered:
.L_overlay_start_1:
0x0: {  	(tag) =	ssettag $0x1  }
0x1: {  	s1 =	srdreg.scid  }
0x2: {  	s9 =	rddreg [dreg:$0x0];
	s0 =	stileid.u32;
	s13 =	sand.u32 $0x1, s1  }
0x3: {  	s3 =	rddreg [dreg:$0x1];
	s4 =	sshll.u32 s0, $0xA;
	s5 =	sshll.u32 s13, $0x9  }
0x4: {  	s2 =	simm.s32 $0x0;
	s1 =	rddreg [dreg:$0x2];
	s10 =	sor.u32 s5, s4  }
0x5: {  	[smem:$0x7FF] =	sst s2;
	s4 =	sshrl.u32 s10, $0x3  }
0x6: {  	_ =	strace $0x80000047;
	s4 =	sadd.s32 s3, s4;
	s3 =	simm.s32 $0x2  }
0x7: {  	[tilespmem:s2], [sflag:$0x2] =	stream.linear.gather [hbm4b:s4+s2], $0x200, $0x38;
	[tilespmem:$0x4200] =	vst v63  }
0x8: {  	_ =	swait.ge [sflag:s3], $0x200  }
0x9: {  	s6 =	simm.s32 $0x80;
	s7 =	simm.s32 $0x200;
	[sflag:s3] =	ssyncset.done $0x0  }
0xa: {  	s8 =	simm.s32 $0x1;
	s5 =	sadd.s32 $0xF44A00, s9;
	[sflag:s3] =	ssyncadd.s32 $0xFFFFFE00  }
0xb: {  	[tilespmem:s7], [sflag:$0x1] =	stream.indirect.gather [hbm4b:s5+s6], $0x80, s2, s6, $0xb8;
	[tilespmem:$0x4200] =	vst v63  }
0xc: {  	s10 =	sshll.u32 s10, $0x4;
	_ =	swait.ge [sflag:s8], $0x4000  }
0xd: {  	s14 =	sadd.s32 s10, s9;
	[sflag:s8] =	ssyncset.done $0x0  }
0xe: {  	s9 =	sadd.s32 $0x2600, s14;
	[sflag:s8] =	ssyncadd.s32 $0xFFFFC000  }
0xf: {  	[hbm4b:s9+s2] =	stream.linear.scatter [tilespmem:s7], [sflag:$0x2], $0x4000, $0x38;
	[tilespmem:$0x4200] =	vst v63  }
0x10: {  	_ =	swait.ge [sflag:s3], $0x4000  }
0x11: {  	[sflag:s3] =	ssyncset.done $0x0  }
0x12: {  	[sflag:s3] =	ssyncadd.s32 $0xFFFFC000  }
0x13: {  	[tilespmem:s7], [sflag:$0x1] =	stream.indirect.gather [hbm4b:s5+s6], $0x80, s6, s6, $0xb8;
	[tilespmem:$0x4200] =	vst v63  }
0x14: {  	_ =	swait.ge [sflag:s8], $0x4000  }
0x15: {  	[sflag:s8] =	ssyncset.done $0x0  }
0x16: {  	s10 =	sadd.s32 $0x2E00, s14;
	[sflag:s8] =	ssyncadd.s32 $0xFFFFC000  }
0x17: {  	[hbm4b:s10+s2] =	stream.linear.scatter [tilespmem:s7], [sflag:$0x2], $0x4000, $0x38;
	[tilespmem:$0x4200] =	vst v63  }
0x18: {  	_ =	swait.ge [sflag:s3], $0x4000  }
0x19: {  	[sflag:s3] =	ssyncset.done $0x0  }
0x1a: {  	s11 =	simm.s32 $0x100;
	[sflag:s3] =	ssyncadd.s32 $0xFFFFC000  }
0x1b: {  	[tilespmem:s7], [sflag:$0x1] =	stream.indirect.gather [hbm4b:s5+s6], $0x80, s11, s6, $0xb8;
	[tilespmem:$0x4200] =	vst v63  }
0x1c: {  	_ =	swait.ge [sflag:s8], $0x4000  }
0x1d: {  	[sflag:s8] =	ssyncset.done $0x0  }
0x1e: {  	s15 =	ssub.s32 $0x2, s13;
	s12 =	sadd.s32 $0x3600, s14;
	[sflag:s8] =	ssyncadd.s32 $0xFFFFC000  }
0x1f: {  	[hbm4b:s12+s2] =	stream.linear.scatter [tilespmem:s7], [sflag:$0x2], $0x4000, $0x38;
	[tilespmem:$0x4200] =	vst v63  }
0x20: {  	s16 =	sshrl.u32 s15, $0x1;
	_ =	swait.ge [sflag:s3], $0x4000  }
0x21: {  	s15 =	ssub.s32 s15, s16;
	[sflag:s3] =	ssyncset.done $0x0  }
0x22: {  	s13 =	simm.s32 $0x180;
	s15 =	smax.u32 s15, $0x1;
	[sflag:s3] =	ssyncadd.s32 $0xFFFFC000  }
0x23: {  	[tilespmem:s7], [sflag:$0x1] =	stream.indirect.gather [hbm4b:s5+s6], $0x80, s13, s6, $0xb8;
	[tilespmem:$0x4200] =	vst v63  }
0x24: {  	p0 =	sne.s32 s15, $0x1;
	_ =	swait.ge [sflag:s8], $0x4000  }
.Ltmp0:
0x25: {  	[sflag:s8] =	ssyncset.done $0x0;
	(pc) =	sbr.rel @!p0 .LBB2_2-.Ltmp0, $4  }
0x26: {  	s14 =	sadd.s32 $0x3E00, s14;
	[sflag:s8] =	ssyncadd.s32 $0xFFFFC000  }
0x27: {  	[hbm4b:s14+s2] =	stream.linear.scatter [tilespmem:s7], [sflag:$0x2], $0x4000, $0x38;
	[tilespmem:$0x4200] =	vst v63  }
0x28: {  	_ =	swait.ge [sflag:s3], $0x4000  }
0x29: {  	s15 =	sadd.s32 $0xFFFFFFFF, s15;
	[sflag:s3] =	ssyncset.done $0x0  }
.LBB2_1:
0x2a: {  	p0 =	sne.s32 s15, $0x1;
	s15 =	sadd.s32 $0xFFFFFFFF, s15;
	[sflag:s3] =	ssyncadd.s32 $0xFFFFC000  }
0x2b: {  	[tilespmem:s2], [sflag:$0x2] =	stream.linear.gather [hbm4b:s4+s2], $0x200, $0x38;
	[tilespmem:$0x4200] =	vst v63  }
0x2c: {  	_ =	swait.ge [sflag:s3], $0x200  }
0x2d: {  	[sflag:s3] =	ssyncset.done $0x0  }
0x2e: {  	[sflag:s3] =	ssyncadd.s32 $0xFFFFFE00  }
0x2f: {  	[tilespmem:s7], [sflag:$0x1] =	stream.indirect.gather [hbm4b:s5+s6], $0x80, s2, s6, $0xb8;
	[tilespmem:$0x4200] =	vst v63  }
0x30: {  	_ =	swait.ge [sflag:s8], $0x4000  }
0x31: {  	[sflag:s8] =	ssyncset.done $0x0  }
0x32: {  	[sflag:s8] =	ssyncadd.s32 $0xFFFFC000  }
0x33: {  	[hbm4b:s9+s2] =	stream.linear.scatter [tilespmem:s7], [sflag:$0x2], $0x4000, $0x38;
	[tilespmem:$0x4200] =	vst v63  }
0x34: {  	_ =	swait.ge [sflag:s3], $0x4000  }
0x35: {  	[sflag:s3] =	ssyncset.done $0x0  }
0x36: {  	[sflag:s3] =	ssyncadd.s32 $0xFFFFC000  }
0x37: {  	[tilespmem:s7], [sflag:$0x1] =	stream.indirect.gather [hbm4b:s5+s6], $0x80, s6, s6, $0xb8;
	[tilespmem:$0x4200] =	vst v63  }
0x38: {  	_ =	swait.ge [sflag:s8], $0x4000  }
0x39: {  	[sflag:s8] =	ssyncset.done $0x0  }
0x3a: {  	[sflag:s8] =	ssyncadd.s32 $0xFFFFC000  }
0x3b: {  	[hbm4b:s10+s2] =	stream.linear.scatter [tilespmem:s7], [sflag:$0x2], $0x4000, $0x38;
	[tilespmem:$0x4200] =	vst v63  }
0x3c: {  	_ =	swait.ge [sflag:s3], $0x4000  }
0x3d: {  	[sflag:s3] =	ssyncset.done $0x0  }
0x3e: {  	[sflag:s3] =	ssyncadd.s32 $0xFFFFC000  }
0x3f: {  	[tilespmem:s7], [sflag:$0x1] =	stream.indirect.gather [hbm4b:s5+s6], $0x80, s11, s6, $0xb8;
	[tilespmem:$0x4200] =	vst v63  }
0x40: {  	_ =	swait.ge [sflag:s8], $0x4000  }
0x41: {  	[sflag:s8] =	ssyncset.done $0x0  }
0x42: {  	[sflag:s8] =	ssyncadd.s32 $0xFFFFC000  }
0x43: {  	[hbm4b:s12+s2] =	stream.linear.scatter [tilespmem:s7], [sflag:$0x2], $0x4000, $0x38;
	[tilespmem:$0x4200] =	vst v63  }
0x44: {  	_ =	swait.ge [sflag:s3], $0x4000  }
0x45: {  	[sflag:s3] =	ssyncset.done $0x0  }
0x46: {  	[sflag:s3] =	ssyncadd.s32 $0xFFFFC000  }
0x47: {  	[tilespmem:s7], [sflag:$0x1] =	stream.indirect.gather [hbm4b:s5+s6], $0x80, s13, s6, $0xb8;
	[tilespmem:$0x4200] =	vst v63  }
0x48: {  	_ =	swait.ge [sflag:s8], $0x4000  }
.Ltmp1:
0x49: {  	[sflag:s8] =	ssyncset.done $0x0;
	(pc) =	sbr.rel @p0 .LBB2_1-.Ltmp1, $4  }
0x4a: {  	[sflag:s8] =	ssyncadd.s32 $0xFFFFC000  }
0x4b: {  	[hbm4b:s14+s2] =	stream.linear.scatter [tilespmem:s7], [sflag:$0x2], $0x4000, $0x38;
	[tilespmem:$0x4200] =	vst v63  }
0x4c: {  	_ =	swait.ge [sflag:s3], $0x4000  }
0x4d: {  	[sflag:s3] =	ssyncset.done $0x0  }
.LBB2_2:
0x4e: {  	[sflag:s3] =	ssyncadd.s32 $0xFFFFC000  }
0x4f: {  	_ =	sfence.sel $0x180000  }
0x50: {  	[bflag:$0x0] =	sbarrier.arrive $0xFFFF  }
0x51: {  	p0 =	sne.s32 s0, $0x0;
	_ =	strace $0x90000047  }
0x52: {  	s0 =	sadd.s32 @!p0 $0x100000, s1;
	[bflag:$0x2] =	sbarrier.arrive $0xFFFF  }
0x53: {  	[sflag:s0] =	ssyncadd.tile.s32 @!p0 $0x1;
	_ =	shalt  }
.Lfunc_end2:
_tile_overlayer_lowered:
.L_overlay_start_2:
0x54: {  	(tag) =	ssettag $0x2  }
0x55: {  	s0 =	rddreg [dreg:$0x0];
	s2 =	stileid.u32  }
0x56: {  	s1 =	rddreg [dreg:$0x1];
	p0 =	sne.s32 s2, $0x0  }
0x57: {  	s3 =	rddreg [dreg:$0x2];
	[bflag:$0x3] =	sbarrier.arrive $0xFFFF;
	s2 =	simm.s32 @!p0 $0x1C02  }
0x58: {  	[timem:s3], [sflag:s2] =	dma.local @!p0 [hbm:s0], s1  }
0x59: {  	s0 =	simm.s32 @!p0 $0x2  }
0x5a: {  	_ =	swait.ge @!p0 [sflag:s0], s1  }
0x5b: {  	s1 =	ssub.s32 @!p0 $0x0, s1;
	[sflag:s0] =	ssyncset.done @!p0 $0x0  }
0x5c: {  	[sflag:s0] =	ssyncadd.s32 @!p0 s1  }
0x5d: {  	[bflag:$0x3] =	sbarrier.arrive $0xFFFF  }
0x5e: {  	_ =	shalt  }

// kernel: _run.7.cloned.1.call-start
scs
__scs_entry_jumppad:
0x0: {  	(pc) =	sbr.rel $0x88, $3  }
0x1: {  	(tag) =	ssettag $0x0;
	lr =	simm.s32 $0x1  }
0x2: {  	[smem:$0x3F93] =	sst lr;
	_ =	strace $0xD0000000  }
0x3: {  	_ = 	snop  }
0x4: {  	_ = 	snop  }
0x5: {  	_ = 	snop  }
0x6: {  	_ = 	snop  }
0x7: {  	_ = 	snop  }
__scs_overlays_trampoline_lowered:
0x8: {  	[smem:$0x3FA2] =	sst s0  }
0x9: {  	[smem:$0x3FA3] =	sst s1  }
0xa: {  	[smem:$0x3FA4] =	sst s2  }
0xb: {  	[smem:$0x3FA5] =	sst s3  }
0xc: {  	[smem:$0x3FA6] =	sst s4  }
0xd: {  	[smem:$0x3FA7] =	sst s5  }
0xe: {  	[smem:$0x3FA8] =	sst s6  }
0xf: {  	[smem:$0x3FA9] =	sst s7  }
0x10: {  	[smem:$0x3FAA] =	sst s8  }
0x11: {  	[smem:$0x3FAB] =	sst s9;
	s0 =	simm.s32 @!p0 $0x0  }
0x12: {  	s1 =	sld [smem:$0x3F91];
	s0 =	simm.s32 @p0 $0x1  }
0x13: {  	[smem:$0x3FAC] =	sst s0;
	s0 =	simm.s32 @!p1 $0x0  }
0x14: {  	s2 =	sld [smem:$0x3F90];
	s0 =	simm.s32 @p1 $0x1  }
0x15: {  	[smem:$0x3FAD] =	sst s0;
	s0 =	simm.s32 @!p2 $0x0  }
0x16: {  	s3 =	sld [smem:$0x3FDB];
	s0 =	simm.s32 @p2 $0x1  }
0x17: {  	s4 =	simm.s32 $0x1BF5;
	[smem:$0x3FAF] =	sst s0  }
0x18: {  	s0 =	sld [smem:$0x3F92];
	_ =	swait.ge [sflag:s4], $0x0  }
0x19: {  	s7 =	sld [smem:$0x3F93]  }
0x1a: {  	s8 =	sadd.s32 $0xFFFFE003, lr  }
0x1b: {  	s9 =	sadd.s32 $0xFFFFFEF7, lr;
	s5 =	simm.s32 $0xFFFFFFFF;
	p2 =	slt.u32 s8, $0xFFFFF086  }
0x1c: {  	p1 =	slt.u32 s9, $0xF7A;
	s5 =	simm.s32 @!p2 $0x0  }
0x1d: {  	s5 =	simm.s32 @p1 $0x1;
	p0 =	seq.s32 s7, s2  }
0x1e: {  	s7 =	smul.u32 @!p0 $0xF7A, s2;
	p2 =	seq.s32 @!p0 s5, $0x0  }
0x1f: {  	s9 =	smul.u32 $0xF7A, s1;
	s8 =	simm.s32 @!p0 $0x1BF5;
	p2 =	por !p2, p0  }
0x20: {  	[sflag:s8] =	ssyncset.s32 @!p0 $0xFFFFF086;
	s6 =	sadd.s32 @!p0 s3, s7;
	s7 =	simm.s32 @!p0 $0x108  }
0x21: {  	s3 =	sadd.s32 s3, s9;
	s6 =	sadd.s32 @!p0 $0x88, s6;
	s7 =	simm.s32 @p2 $0x1082  }
0x22: {  	[simem:s7], [sflag:s8] =	dma.local @!p0 [hbm:s6], $0xF7A  }
0x23: {  	s9 =	sor.u32 $0xD0000000, s2;
	s6 =	simm.s32 $0x108;
	_ =	swait.ge @!p0 [sflag:s8], $0x0  }
0x24: {  	s3 =	sadd.s32 $0x88, s3;
	s6 =	simm.s32 @!p1 $0x1082;
	[sflag:s4] =	ssyncset.s32 $0xFFFFF086  }
0x25: {  	[simem:s6], [sflag:s4] =	dma.local [hbm:s3], $0xF7A  }
0x26: {  	[smem:$0x3F93] =	sst s1;
	(tag) =	ssettag s2;
	_ =	strace s9  }
0x27: {  	s1 =	sld [smem:$0x3FA3]  }
0x28: {  	s2 =	sld [smem:$0x3FA4]  }
0x29: {  	s4 =	sld [smem:$0x3FA6]  }
0x2a: {  	p0 =	seq.s32 s5, $0x0;
	s5 =	sld [smem:$0x3FA7]  }
0x2b: {  	s6 =	sld [smem:$0x3FA8]  }
0x2c: {  	s7 =	sld [smem:$0x3FA9]  }
0x2d: {  	s3 =	simm.s32 $0x108;
	s8 =	sld [smem:$0x3FAA]  }
0x2e: {  	s3 =	simm.s32 @!p0 $0x1082;
	s9 =	sld [smem:$0x3FAB]  }
0x2f: {  	lr =	sadd.s32 s0, s3;
	s0 =	sld [smem:$0x3FA2]  }
0x30: {  	s3 =	sld [smem:$0x3FA5]  }
0x31: {  	[smem:$0x3FAE] =	sst s10  }
0x32: {  	s10 =	sld [smem:$0x3FAC];
	_ =	sdelay $0x3  }
0x33: {  	p0 =	seq.s32 s10, $0x1;
	s10 =	sld [smem:$0x3FAE];
	_ =	sdelay $0x3  }
0x34: {  	[smem:$0x3FAE] =	sst s10  }
0x35: {  	s10 =	sld [smem:$0x3FAD];
	_ =	sdelay $0x3  }
0x36: {  	p1 =	seq.s32 s10, $0x1;
	s10 =	sld [smem:$0x3FAE];
	_ =	sdelay $0x3  }
0x37: {  	[smem:$0x3FAE] =	sst s10  }
0x38: {  	s10 =	sld [smem:$0x3FAF]  }
0x39: {  	_ = 	snop;
	(pc) =	sbr.ind lr, $3  }
0x3a: {  	_ = 	snop  }
0x3b: {  	_ = 	snop  }
0x3c: {  	p2 =	seq.s32 s10, $0x1;
	s10 =	sld [smem:$0x3FAE]  }
0x3d: {  	_ =	shalt  }
0x3e: {  	_ =	shalt  }
0x3f: {  	_ =	shalt  }
0x40: {  	_ =	shalt  }
0x41: {  	_ =	shalt  }
0x42: {  	_ =	shalt  }
0x43: {  	_ =	shalt  }
0x44: {  	_ =	shalt  }
0x45: {  	_ =	shalt  }
0x46: {  	_ =	shalt  }
0x47: {  	_ =	shalt  }
0x48: {  	_ =	shalt  }
0x49: {  	_ =	shalt  }
0x4a: {  	_ =	shalt  }
0x4b: {  	_ =	shalt  }
0x4c: {  	_ =	shalt  }
0x4d: {  	_ =	shalt  }
0x4e: {  	_ =	shalt  }
0x4f: {  	_ =	shalt  }
0x50: {  	_ =	shalt  }
0x51: {  	_ =	shalt  }
0x52: {  	_ =	shalt  }
0x53: {  	_ =	shalt  }
0x54: {  	_ =	shalt  }
0x55: {  	_ =	shalt  }
0x56: {  	_ =	shalt  }
0x57: {  	_ =	shalt  }
0x58: {  	_ =	shalt  }
0x59: {  	_ =	shalt  }
0x5a: {  	_ =	shalt  }
0x5b: {  	_ =	shalt  }
0x5c: {  	_ =	shalt  }
0x5d: {  	_ =	shalt  }
0x5e: {  	_ =	shalt  }
0x5f: {  	_ =	shalt  }
0x60: {  	_ =	shalt  }
0x61: {  	_ =	shalt  }
0x62: {  	_ =	shalt  }
0x63: {  	_ =	shalt  }
0x64: {  	_ =	shalt  }
0x65: {  	_ =	shalt  }
0x66: {  	_ =	shalt  }
0x67: {  	_ =	shalt  }
0x68: {  	_ =	shalt  }
0x69: {  	_ =	shalt  }
0x6a: {  	_ =	shalt  }
0x6b: {  	_ =	shalt  }
0x6c: {  	_ =	shalt  }
0x6d: {  	_ =	shalt  }
0x6e: {  	_ =	shalt  }
0x6f: {  	_ =	shalt  }
0x70: {  	_ =	shalt  }
0x71: {  	_ =	shalt  }
0x72: {  	_ =	shalt  }
0x73: {  	_ =	shalt  }
0x74: {  	_ =	shalt  }
0x75: {  	_ =	shalt  }
0x76: {  	_ =	shalt  }
0x77: {  	_ =	shalt  }
0x78: {  	_ =	shalt  }
0x79: {  	_ =	shalt  }
0x7a: {  	_ =	shalt  }
0x7b: {  	_ =	shalt  }
0x7c: {  	_ =	shalt  }
0x7d: {  	_ =	shalt  }
0x7e: {  	_ =	shalt  }
0x7f: {  	_ =	shalt  }
0x80: {  	_ =	shalt  }
0x81: {  	_ =	shalt  }
0x82: {  	_ =	shalt  }
0x83: {  	_ =	shalt  }
0x84: {  	_ =	shalt  }
0x85: {  	_ =	shalt  }
0x86: {  	_ =	shalt  }
0x87: {  	_ =	shalt  }
.Lfunc_end0:
.L_simem_size_0:
called_computation_lowered:
.L_overlay_start_0:
0x88: {  	s2 =	sld [smem:$0x3FD9]  }
0x89: {  	s3 =	sld [smem:$0x3FFE];
	_ =	sdelay $0x1  }
0x8a: {  	s1 =	srdreg.scid  }
0x8b: {  	s0 =	sand.u32 $0x1, s1  }
0x8c: {  	s17 =	sshll.u32 s0, $0xA;
	s2 =	sadd.s32 s3, s2  }
0x8d: {  	s2 =	sadd.s32 s2, s17  }
0x8e: {  	[smem:$0x3FBA] =	sst s2  }
0x8f: {  	_ = 	snop  }
0x90: {  	(tm) =	ssettm $0x1  }
0x91: {  	s18 =	sld [smem:$0x3FFB];
	_ =	sdelay $0x3  }
0x92: {  	_ =	strace s18  }
0x93: {  	s2 =	sld [smem:$0x3FFC];
	_ =	sdelay $0x3  }
0x94: {  	_ =	strace s2  }
0x95: {  	s2 =	sld [smem:$0x3FFD];
	_ =	sdelay $0x3  }
0x96: {  	_ =	strace s2  }
0x97: {  	_ =	strace $0x8FFFFFFF  }
0x98: {  	s19 =	sld [smem:$0x3FDB];
	_ =	sdelay $0x1  }
0x99: {  	s20 =	simm.s32 $_scs_section_size  }
0x9a: {  	s4 =	simm.s32 $_size__tile_overlayer_lowered;
	s5 =	simm.s32 $_tile_overlayer_lowered  }
0x9b: {  	s6 =	simm.s32 $0x1BFF;
	s21 =	sshll.u32 s5, $0x1;
	s3 =	sadd.s32 s20, s19  }
0x9c: {  	s22 =	simm.s32 $0x0;
	s4 =	sshll.u32 s4, $0x1;
	s5 =	sadd.s32 s21, s3  }
0x9d: {  	[timem:s22], [sflag:s6] =	dma.local [hbm:s5], s4  }
0x9e: {  	_ =	swait.ge [sflag:s6], s4  }
0x9f: {  	s4 =	ssub.s32 $0x0, s4;
	[sflag:s6] =	ssyncset.done $0x0  }
0xa0: {  	[sflag:s6] =	ssyncadd.s32 s4;
	_ =	sdelay $0x1  }
0xa1: {  	s23 =	simm.s32 $0x1B8B  }
0xa2: {  	_ =	swait.ge [sflag:s23], $0x1  }
0xa3: {  	[sflag:s23] =	ssyncset.done $0x0  }
0xa4: {  	[sflag:s23] =	ssyncadd.s32 $0xFFFFFFFF  }
0xa5: {  	s4 =	sld [smem:$0x0]  }
0xa6: {  	s5 =	sand.u32 $0xFFFFFFFE, s1  }
0xa7: {  	p0 =	sne.s32 s1, s5  }
0xa8: {  	s5 =	sshll.u32 @p0 s5, $0xE  }
0xa9: {  	s5 =	sadd.s32 @p0 $0x11B8D, s5;
	s6 =	sshll.u32 @p0 s4, $0x11  }
0xaa: {  	s5 =	sor.u32 @p0 s6, s5  }
0xab: {  	[sflag:s5] =	ssyncadd.remote.s32 @p0 $0x1;
	_ =	sdelay $0x1  }
0xac: {  	s5 =	simm.s32 @p0 $0x1B8D  }
0xad: {  	_ =	swait.eq @p0 [sflag:s5], $0x1  }
0xae: {  	[sflag:s5] =	ssyncadd.s32 @p0 $0xFFFFFFFF  }
0xaf: {  	s6 =	sshll.u32 @!p0 s1, $0xE  }
0xb0: {  	s6 =	sor.u32 @!p0 $0x4000, s6;
	s5 =	simm.s32 @!p0 $0x1B8D  }
0xb1: {  	s4 =	sshll.u32 @!p0 s4, $0x11;
	s6 =	sadd.s32 @!p0 $0x11B8D, s6;
	_ =	swait.eq @!p0 [sflag:s5], $0x1  }
0xb2: {  	s4 =	sor.u32 @!p0 s4, s6;
	[sflag:s5] =	ssyncadd.s32 @!p0 $0xFFFFFFFF  }
0xb3: {  	s25 =	simm.s32 $0x1B8E;
	s24 =	sld [smem:$0x3FFE];
	[sflag:s4] =	ssyncadd.remote.s32 @!p0 $0x1  }
0xb4: {  	s26 =	simm.s32 $execute0_lowered;
	[smem:$0x3FD2] =	sst s25  }
0xb5: {  	s5 =	sshll.u32 s26, $0x1;
	_ =	strace $0x80000049;
	[dreg:$0x1] =	wrdreg $0xFFFFFFFF  }
0xb6: {  	s28 =	simm.s32 $_size_execute0_lowered;
	s3 =	sadd.s32 s3, s5;
	[dreg:$0x0] =	wrdreg $0x0  }
0xb7: {  	s5 =	sshll.u32 s28, $0x1;
	[dreg:$0x2] =	wrdreg s3  }
0xb8: {  	[dreg:$0x3] =	wrdreg s5  }
0xb9: {  	[dreg:$0x4] =	wrdreg $0xC0  }
0xba: {  	_ =	task [dreg:s22], $0x5FFFF  }
0xbb: {  	[dreg:$0x1] =	wrdreg $0xFFFFFFFF  }
0xbc: {  	[dreg:$0x0] =	wrdreg $0x60  }
0xbd: {  	[dreg:$0x2] =	wrdreg s24  }
0xbe: {  	[dreg:$0x3] =	wrdreg $0x9  }
0xbf: {  	_ =	task.clear_ibuf [dreg:s22], $0x4FFFF;
	_ =	strace $0x90000049  }
0xc0: {  	s29 =	simm.s32 $0x9;
	_ =	strace $0x8000004B  }
0xc1: {  	_ =	swait.ge [sflag:s29], $0x1  }
0xc2: {  	[sflag:s29] =	ssyncadd.s32 $0xFFFFFFFF  }
0xc3: {  	_ =	strace $0x9000004B  }
0xc4: {  	_ =	sfence  }
0xc5: {  	s30 =	sld [smem:$0x0];
	_ =	sdelay $0x2  }
0xc6: {  	s31 =	sshll.u32 s1, $0xD;
	s1 =	sshrl.u32 s1, $0x2  }
0xc7: {  	s4 =	sand.u32 $0x4000, s31;
	s1 =	sadd.s32 s1, s30  }
0xc8: {  	s0 =	sor.u32 s4, s0;
	s1 =	sshll.u32 s1, $0x11  }
0xc9: {  	s0 =	sor.u32 s1, s0  }
0xca: {  	s0 =	sadd.s32 $0x8F2B, s0  }
0xcb: {  	[sflag:s0] =	ssyncadd.remote.s32 $0x1  }
0xcc: {  	_ =	sfence.sel $0xFFFF  }
0xcd: {  	[dreg:$0x0] =	wrdreg $0xFFFFFFFF;
	(pc) =	sbr.abs _section_cstart, $3  }
0xce: {  	[dreg:$0x1] =	wrdreg $0xFFFFFFFF  }
0xcf: {  	_ =	task.clear_ibuf [dreg:s22], $0x2FFFF;
	_ =	strace $0x9FFFFFFF  }
0xd0: {  	(tm) =	ssettm $0x7FFFFFFF  }
0xd1: {  	_ =	shalt  }
tec
execute0_lowered:
.L_overlay_start_1:
0x0: {  	(tag) =	ssettag $0x1  }
0x1: {  	s1 =	srdreg.scid  }
0x2: {  	s0 =	stileid.u32;
	s13 =	sand.u32 $0x1, s1  }
0x3: {  	s31 =	sshll.u32 s0, $0xA;
	s2 =	sshll.u32 s13, $0x9  }
0x4: {  	s9 =	rddreg [dreg:$0x0];
	s10 =	sor.u32 s2, s31  }
0x5: {  	s1 =	rddreg [dreg:$0x1];
	s2 =	simm.s32 $0x0;
	s3 =	sshrl.u32 s10, $0x3  }
0x6: {  	[smem:$0x7FF] =	sst s2;
	s3 =	sadd.s32 s3, s9  }
0x7: {  	_ =	strace $0x8000004A;
	s4 =	sadd.s32 $0x42600, s3;
	s3 =	simm.s32 $0x2  }
0x8: {  	[tilespmem:s2], [sflag:$0x2] =	stream.linear.gather [hbm4b:s4+s2], $0x200, $0x38;
	[tilespmem:$0x4200] =	vst v63  }
0x9: {  	_ =	swait.ge [sflag:s3], $0x200  }
0xa: {  	s6 =	simm.s32 $0x80;
	s7 =	simm.s32 $0x200;
	[sflag:s3] =	ssyncset.done $0x0  }
0xb: {  	s8 =	simm.s32 $0x1;
	s5 =	sadd.s32 $0x1C9000, s9;
	[sflag:s3] =	ssyncadd.s32 $0xFFFFFE00  }
0xc: {  	[tilespmem:s7], [sflag:$0x1] =	stream.indirect.gather [hbm4b:s5+s6], $0x80, s2, s6, $0xb8;
	[tilespmem:$0x4200] =	vst v63  }
0xd: {  	s10 =	sshll.u32 s10, $0x4;
	_ =	swait.ge [sflag:s8], $0x4000  }
0xe: {  	s14 =	sadd.s32 s10, s9;
	[sflag:s8] =	ssyncset.done $0x0  }
0xf: {  	s9 =	sadd.s32 $0x42E00, s14;
	[sflag:s8] =	ssyncadd.s32 $0xFFFFC000  }
0x10: {  	[hbm4b:s9+s2] =	stream.linear.scatter [tilespmem:s7], [sflag:$0x2], $0x4000, $0x38;
	[tilespmem:$0x4200] =	vst v63  }
0x11: {  	_ =	swait.ge [sflag:s3], $0x4000  }
0x12: {  	[sflag:s3] =	ssyncset.done $0x0  }
0x13: {  	[sflag:s3] =	ssyncadd.s32 $0xFFFFC000  }
0x14: {  	[tilespmem:s7], [sflag:$0x1] =	stream.indirect.gather [hbm4b:s5+s6], $0x80, s6, s6, $0xb8;
	[tilespmem:$0x4200] =	vst v63  }
0x15: {  	_ =	swait.ge [sflag:s8], $0x4000  }
0x16: {  	[sflag:s8] =	ssyncset.done $0x0  }
0x17: {  	s10 =	sadd.s32 $0x43600, s14;
	[sflag:s8] =	ssyncadd.s32 $0xFFFFC000  }
0x18: {  	[hbm4b:s10+s2] =	stream.linear.scatter [tilespmem:s7], [sflag:$0x2], $0x4000, $0x38;
	[tilespmem:$0x4200] =	vst v63  }
0x19: {  	_ =	swait.ge [sflag:s3], $0x4000  }
0x1a: {  	[sflag:s3] =	ssyncset.done $0x0  }
0x1b: {  	s11 =	simm.s32 $0x100;
	[sflag:s3] =	ssyncadd.s32 $0xFFFFC000  }
0x1c: {  	[tilespmem:s7], [sflag:$0x1] =	stream.indirect.gather [hbm4b:s5+s6], $0x80, s11, s6, $0xb8;
	[tilespmem:$0x4200] =	vst v63  }
0x1d: {  	_ =	swait.ge [sflag:s8], $0x4000  }
0x1e: {  	[sflag:s8] =	ssyncset.done $0x0  }
0x1f: {  	s15 =	ssub.s32 $0x2, s13;
	s12 =	sadd.s32 $0x43E00, s14;
	[sflag:s8] =	ssyncadd.s32 $0xFFFFC000  }
0x20: {  	[hbm4b:s12+s2] =	stream.linear.scatter [tilespmem:s7], [sflag:$0x2], $0x4000, $0x38;
	[tilespmem:$0x4200] =	vst v63  }
0x21: {  	s16 =	sshrl.u32 s15, $0x1;
	_ =	swait.ge [sflag:s3], $0x4000  }
0x22: {  	s15 =	ssub.s32 s15, s16;
	[sflag:s3] =	ssyncset.done $0x0  }
0x23: {  	s13 =	simm.s32 $0x180;
	s15 =	smax.u32 s15, $0x1;
	[sflag:s3] =	ssyncadd.s32 $0xFFFFC000  }
0x24: {  	[tilespmem:s7], [sflag:$0x1] =	stream.indirect.gather [hbm4b:s5+s6], $0x80, s13, s6, $0xb8;
	[tilespmem:$0x4200] =	vst v63  }
0x25: {  	p0 =	sne.s32 s15, $0x1;
	_ =	swait.ge [sflag:s8], $0x4000  }
.Ltmp0:
0x26: {  	[sflag:s8] =	ssyncset.done $0x0;
	(pc) =	sbr.rel @!p0 .LBB2_2-.Ltmp0, $4  }
0x27: {  	s14 =	sadd.s32 $0x44600, s14;
	[sflag:s8] =	ssyncadd.s32 $0xFFFFC000  }
0x28: {  	[hbm4b:s14+s2] =	stream.linear.scatter [tilespmem:s7], [sflag:$0x2], $0x4000, $0x38;
	[tilespmem:$0x4200] =	vst v63  }
0x29: {  	_ =	swait.ge [sflag:s3], $0x4000  }
0x2a: {  	s15 =	sadd.s32 $0xFFFFFFFF, s15;
	[sflag:s3] =	ssyncset.done $0x0  }
.LBB2_1:
0x2b: {  	p0 =	sne.s32 s15, $0x1;
	s15 =	sadd.s32 $0xFFFFFFFF, s15;
	[sflag:s3] =	ssyncadd.s32 $0xFFFFC000  }
0x2c: {  	[tilespmem:s2], [sflag:$0x2] =	stream.linear.gather [hbm4b:s4+s2], $0x200, $0x38;
	[tilespmem:$0x4200] =	vst v63  }
0x2d: {  	_ =	swait.ge [sflag:s3], $0x200  }
0x2e: {  	[sflag:s3] =	ssyncset.done $0x0  }
0x2f: {  	[sflag:s3] =	ssyncadd.s32 $0xFFFFFE00  }
0x30: {  	[tilespmem:s7], [sflag:$0x1] =	stream.indirect.gather [hbm4b:s5+s6], $0x80, s2, s6, $0xb8;
	[tilespmem:$0x4200] =	vst v63  }
0x31: {  	_ =	swait.ge [sflag:s8], $0x4000  }
0x32: {  	[sflag:s8] =	ssyncset.done $0x0  }
0x33: {  	[sflag:s8] =	ssyncadd.s32 $0xFFFFC000  }
0x34: {  	[hbm4b:s9+s2] =	stream.linear.scatter [tilespmem:s7], [sflag:$0x2], $0x4000, $0x38;
	[tilespmem:$0x4200] =	vst v63  }
0x35: {  	_ =	swait.ge [sflag:s3], $0x4000  }
0x36: {  	[sflag:s3] =	ssyncset.done $0x0  }
0x37: {  	[sflag:s3] =	ssyncadd.s32 $0xFFFFC000  }
0x38: {  	[tilespmem:s7], [sflag:$0x1] =	stream.indirect.gather [hbm4b:s5+s6], $0x80, s6, s6, $0xb8;
	[tilespmem:$0x4200] =	vst v63  }
0x39: {  	_ =	swait.ge [sflag:s8], $0x4000  }
0x3a: {  	[sflag:s8] =	ssyncset.done $0x0  }
0x3b: {  	[sflag:s8] =	ssyncadd.s32 $0xFFFFC000  }
0x3c: {  	[hbm4b:s10+s2] =	stream.linear.scatter [tilespmem:s7], [sflag:$0x2], $0x4000, $0x38;
	[tilespmem:$0x4200] =	vst v63  }
0x3d: {  	_ =	swait.ge [sflag:s3], $0x4000  }
0x3e: {  	[sflag:s3] =	ssyncset.done $0x0  }
0x3f: {  	[sflag:s3] =	ssyncadd.s32 $0xFFFFC000  }
0x40: {  	[tilespmem:s7], [sflag:$0x1] =	stream.indirect.gather [hbm4b:s5+s6], $0x80, s11, s6, $0xb8;
	[tilespmem:$0x4200] =	vst v63  }
0x41: {  	_ =	swait.ge [sflag:s8], $0x4000  }
0x42: {  	[sflag:s8] =	ssyncset.done $0x0  }
0x43: {  	[sflag:s8] =	ssyncadd.s32 $0xFFFFC000  }
0x44: {  	[hbm4b:s12+s2] =	stream.linear.scatter [tilespmem:s7], [sflag:$0x2], $0x4000, $0x38;
	[tilespmem:$0x4200] =	vst v63  }
0x45: {  	_ =	swait.ge [sflag:s3], $0x4000  }
0x46: {  	[sflag:s3] =	ssyncset.done $0x0  }
0x47: {  	[sflag:s3] =	ssyncadd.s32 $0xFFFFC000  }
0x48: {  	[tilespmem:s7], [sflag:$0x1] =	stream.indirect.gather [hbm4b:s5+s6], $0x80, s13, s6, $0xb8;
	[tilespmem:$0x4200] =	vst v63  }
0x49: {  	_ =	swait.ge [sflag:s8], $0x4000  }
.Ltmp1:
0x4a: {  	[sflag:s8] =	ssyncset.done $0x0;
	(pc) =	sbr.rel @p0 .LBB2_1-.Ltmp1, $4  }
0x4b: {  	[sflag:s8] =	ssyncadd.s32 $0xFFFFC000  }
0x4c: {  	[hbm4b:s14+s2] =	stream.linear.scatter [tilespmem:s7], [sflag:$0x2], $0x4000, $0x38;
	[tilespmem:$0x4200] =	vst v63  }
0x4d: {  	_ =	swait.ge [sflag:s3], $0x4000  }
0x4e: {  	[sflag:s3] =	ssyncset.done $0x0  }
.LBB2_2:
0x4f: {  	[sflag:s3] =	ssyncadd.s32 $0xFFFFC000  }
0x50: {  	_ =	sfence.sel $0x180000  }
0x51: {  	[bflag:$0x0] =	sbarrier.arrive $0xFFFF  }
0x52: {  	p0 =	sne.s32 s0, $0x0;
	_ =	strace $0x9000004A  }
0x53: {  	s0 =	sadd.s32 @!p0 $0x100000, s1;
	[bflag:$0x2] =	sbarrier.arrive $0xFFFF  }
0x54: {  	[sflag:s0] =	ssyncadd.tile.s32 @!p0 $0x1;
	_ =	shalt  }
.Lfunc_end2:
_tile_overlayer_lowered:
.L_overlay_start_2:
0x55: {  	(tag) =	ssettag $0x2  }
0x56: {  	s0 =	rddreg [dreg:$0x0];
	s2 =	stileid.u32  }
0x57: {  	s1 =	rddreg [dreg:$0x1];
	p0 =	sne.s32 s2, $0x0  }
0x58: {  	s3 =	rddreg [dreg:$0x2];
	[bflag:$0x3] =	sbarrier.arrive $0xFFFF;
	s2 =	simm.s32 @!p0 $0x1C02  }
0x59: {  	[timem:s3], [sflag:s2] =	dma.local @!p0 [hbm:s0], s1  }
0x5a: {  	s0 =	simm.s32 @!p0 $0x2  }
0x5b: {  	_ =	swait.ge @!p0 [sflag:s0], s1  }
0x5c: {  	s1 =	ssub.s32 @!p0 $0x0, s1;
	[sflag:s0] =	ssyncset.done @!p0 $0x0  }
0x5d: {  	[sflag:s0] =	ssyncadd.s32 @!p0 s1  }
0x5e: {  	[bflag:$0x3] =	sbarrier.arrive $0xFFFF  }
0x5f: {  	_ =	shalt  }

</sc_bundles>
